<compile_context>
chip_gen: v7x
topology: tpu7x:2x2x1
jax: 0.10.2.dev20260603
libtpu: 0.0.44.dev20260713+nightly
codegen_flags: <defaults>
</compile_context>

<pallas_src>
import functools
import jax
import jax.numpy as jnp
from jax import lax
from jax.experimental import pallas as pl
from jax.experimental.pallas import tpu as pltpu
from jax.experimental.pallas import tpu_sc as plsc

HID = 1024
B = 32
S = 512
EPS = 1e-12
NTOK = B * S
NW = 32
TOK_PER_W = NTOK // NW
CHUNK = 32
NCHUNK = TOK_PER_W // CHUNK


def _gather_body(table, ids, out, idx_v, buf0, buf1, gs0, gs1, ws0, ws1):
    wid = lax.axis_index("s") * 2 + lax.axis_index("c")
    base = wid * TOK_PER_W
    pltpu.sync_copy(ids.at[pl.ds(base, TOK_PER_W)], idx_v)

    bufs = (buf0, buf1)
    gsems = (gs0, gs1)
    wsems = (ws0, ws1)

    def start_gather(c, p):
        src = table.at[idx_v.at[pl.ds(c * CHUNK, CHUNK)]]
        return pltpu.async_copy(src, bufs[p], gsems[p])

    def start_write(c, p):
        dst = out.at[pl.ds(base + c * CHUNK, CHUNK)]
        return pltpu.async_copy(bufs[p], dst, wsems[p])

    hg = [None, None]
    hw = [None, None]
    hg[0] = start_gather(0, 0)
    for c in range(NCHUNK):
        p = c & 1
        hg[p].wait()
        if c + 1 < NCHUNK:
            if c >= 1:
                hw[1 - p].wait()
            hg[1 - p] = start_gather(c + 1, 1 - p)
        hw[p] = start_write(c, p)
    hw[(NCHUNK - 1) & 1].wait()
    hw[NCHUNK & 1].wait()


@jax.jit
def _sc_gather(table, ids_flat):
    mesh = plsc.VectorSubcoreMesh(core_axis_name="c", subcore_axis_name="s")
    f = pl.kernel(
        _gather_body,
        out_type=jax.ShapeDtypeStruct((NTOK, HID), jnp.float32),
        mesh=mesh,
        scratch_types=[
            pltpu.VMEM((TOK_PER_W,), jnp.int32),
            pltpu.VMEM((CHUNK, HID), jnp.float32),
            pltpu.VMEM((CHUNK, HID), jnp.float32),
            pltpu.SemaphoreType.DMA,
            pltpu.SemaphoreType.DMA,
            pltpu.SemaphoreType.DMA,
            pltpu.SemaphoreType.DMA,
        ],
    )
    return f(table, ids_flat)


def _ln_body(tt_ref, rows_ref, pe_ref, tte_ref, gamma_ref, beta_ref, out_ref):
    rows = rows_ref[0]
    pe = pe_ref[...]
    tte0 = tte_ref[0, :HID]
    dtte = tte_ref[0, HID:] - tte0
    tt = tt_ref[0, 0, :].astype(jnp.float32)[:, None]
    emb = rows + pe + tte0[None, :] + tt * dtte[None, :]
    mean = jnp.mean(emb, axis=1, keepdims=True)
    d = emb - mean
    var = jnp.mean(d * d, axis=1, keepdims=True)
    out = d * lax.rsqrt(var + EPS) * gamma_ref[0][None, :] + beta_ref[0][None, :]
    out_ref[0] = out


@jax.jit
def _tc_ln(tt3, rows3, pe, tte2, g2, b2):
    return pl.pallas_call(
        _ln_body,
        grid=(B,),
        in_specs=[
            pl.BlockSpec((1, 1, S), lambda i: (i, 0, 0)),
            pl.BlockSpec((1, S, HID), lambda i: (i, 0, 0)),
            pl.BlockSpec((S, HID), lambda i: (0, 0)),
            pl.BlockSpec((1, 2 * HID), lambda i: (0, 0)),
            pl.BlockSpec((1, HID), lambda i: (0, 0)),
            pl.BlockSpec((1, HID), lambda i: (0, 0)),
        ],
        out_specs=pl.BlockSpec((1, S, HID), lambda i: (i, 0, 0)),
        out_shape=jax.ShapeDtypeStruct((B, S, HID), jnp.float32),
    )(tt3, rows3, pe, tte2, g2, b2)


def kernel(input_ids, token_type_ids, word_embeddings, position_embeddings,
           token_type_embeddings, ln_gamma, ln_beta):
    ids_flat = input_ids.reshape(-1)
    rows = _sc_gather(word_embeddings, ids_flat)
    rows3 = rows.reshape(B, S, HID)
    tt3 = token_type_ids.reshape(B, 1, S)
    tte2 = token_type_embeddings.reshape(1, 2 * HID)
    g2 = ln_gamma.reshape(1, HID)
    b2 = ln_beta.reshape(1, HID)
    return _tc_ln(tt3, rows3, position_embeddings, tte2, g2, b2)

# --- scband reference (transcript-rebuilt; emitter-appended) ---
"""Pipeline reference for scband-pytorch-embeddings-10746008174888 (READ-ONLY COPY).

The authoritative reference and input builder live on the scoring server;
editing this copy changes nothing except your own understanding.
"""

import jax, jax.numpy as jnp
import numpy as np

VOCAB = 30522
HID = 1024
MAXPOS = 512
TYPES = 2
B = 32
S = 512
EPS = 1e-12


def setup_inputs(seed: int = 0) -> dict:
    key = jax.random.key(seed)
    k1, k2, k3, k4, k5 = jax.random.split(key, 5)
    input_ids = jax.random.randint(k1, (B, S), 0, VOCAB, dtype=jnp.int32)
    token_type_ids = jax.random.randint(k2, (B, S), 0, TYPES, dtype=jnp.int32)
    word_embeddings = jax.random.normal(k3, (VOCAB, HID), dtype=jnp.float32) * 0.02
    position_embeddings = jax.random.normal(k4, (MAXPOS, HID), dtype=jnp.float32) * 0.02
    token_type_embeddings = jax.random.normal(k5, (TYPES, HID), dtype=jnp.float32) * 0.02
    ln_gamma = jnp.ones((HID,), dtype=jnp.float32)
    ln_beta = jnp.zeros((HID,), dtype=jnp.float32)
    return {
        "input_ids": input_ids,
        "token_type_ids": token_type_ids,
        "word_embeddings": word_embeddings,
        "position_embeddings": position_embeddings,
        "token_type_embeddings": token_type_embeddings,
        "ln_gamma": ln_gamma,
        "ln_beta": ln_beta,
    }


def reference(input_ids, token_type_ids, word_embeddings, position_embeddings, token_type_embeddings, ln_gamma, ln_beta):
    # BERT-style embeddings: word + position + token_type, then LayerNorm (eval mode, dropout=0)
    past_key_values_length = 0
    seq_len = input_ids.shape[1]
    position_ids = jnp.arange(past_key_values_length, past_key_values_length + seq_len, dtype=jnp.int32)
    we = jnp.take(word_embeddings, input_ids, axis=0)            # [B, S, H] gather
    tte = jnp.take(token_type_embeddings, token_type_ids, axis=0)  # [B, S, H] gather
    pe = jnp.take(position_embeddings, position_ids, axis=0)      # [S, H] gather
    emb = we + tte + pe[None, :, :]
    mean = jnp.mean(emb, axis=-1, keepdims=True)
    var = jnp.var(emb, axis=-1, keepdims=True)
    out = (emb - mean) / jnp.sqrt(var + EPS) * ln_gamma + ln_beta
    return out

if __name__ == "__main__":
    import jax
    _d = setup_inputs()
    print(jax.jit(kernel)(*tuple(_d.values())))

</pallas_src>

<mosaic_0001>
#map = affine_map<(d0, d1) -> (0, 0)>
#map1 = affine_map<(d0, d1) -> (0)>
module attributes {stable_mosaic.version = 14 : i64} {
  func.func @_gather_body(%arg0: i32, %arg1: i32, %arg2: memref<30522x1024xf32, #tpu.memory_space<hbm>>, %arg3: memref<16384xi32, #tpu.memory_space<hbm>>, %arg4: memref<16384x1024xf32, #tpu.memory_space<hbm>>, %arg5: memref<512xi32, #tpu.memory_space<vmem>>, %arg6: memref<32x1024xf32, #tpu.memory_space<vmem>>, %arg7: memref<32x1024xf32, #tpu.memory_space<vmem>>, %arg8: memref<!tpu.dma_semaphore, #tpu.memory_space<semaphore_mem>>, %arg9: memref<!tpu.dma_semaphore, #tpu.memory_space<semaphore_mem>>, %arg10: memref<!tpu.dma_semaphore, #tpu.memory_space<semaphore_mem>>, %arg11: memref<!tpu.dma_semaphore, #tpu.memory_space<semaphore_mem>>) attributes {dimension_semantics = [#tpu.dimension_semantics<core_parallel>, #tpu.dimension_semantics<subcore_parallel>], iteration_bounds = array<i64: 2, 16>, scalar_prefetch = 0 : i64, scratch_operands = 7 : i64, tpu.core_type = #tpu.core_type<sc_vector_subcore>, window_params = [{transform_indices = #map}, {transform_indices = #map1}, {transform_indices = #map}]} {
    %mul3A = arith.constant 2 : i32
    %mul3A_0 = arith.muli %arg1, %mul3A : i32
    %add3A = arith.addi %mul3A_0, %arg0 : i32
    %mul3A_1 = arith.constant 512 : i32
    %mul3A_2 = arith.muli %add3A, %mul3A_1 : i32
    "tpu.region"() ({
      %run_scoped3A = tpu.sem_alloc : memref<!tpu.dma_semaphore, #tpu.memory_space<semaphore_mem>>
      %dma_start3A_321 = tpu.memref_slice %arg3[%mul3A_2] : memref<16384xi32, #tpu.memory_space<hbm>> -> memref<512xi32, #tpu.memory_space<hbm>>
      %dma_start3A_322 = tpu.memref_slice %arg3[%mul3A_2] : memref<16384xi32, #tpu.memory_space<hbm>> -> memref<512xi32, #tpu.memory_space<hbm>>
      tpu.enqueue_dma source(%dma_start3A_322 : memref<512xi32, #tpu.memory_space<hbm>>) target(%arg5 : memref<512xi32, #tpu.memory_space<vmem>>) target_semaphore(%run_scoped3A : memref<!tpu.dma_semaphore, #tpu.memory_space<semaphore_mem>>)
      %dma_wait3A_323 = tpu.memref_slice %arg3[%mul3A_2] : memref<16384xi32, #tpu.memory_space<hbm>> -> memref<512xi32, #tpu.memory_space<hbm>>
      %dma_wait3A_324 = tpu.memref_slice %arg3[%mul3A_2] : memref<16384xi32, #tpu.memory_space<hbm>> -> memref<512xi32, #tpu.memory_space<hbm>>
      tpu.wait_dma2 semaphore(%run_scoped3A : memref<!tpu.dma_semaphore, #tpu.memory_space<semaphore_mem>>) src(%dma_wait3A_324 : memref<512xi32, #tpu.memory_space<hbm>>) dst(%arg5 : memref<512xi32, #tpu.memory_space<vmem>>)
      tpu.yield
    }) : () -> ()
    %dma_start3A = arith.constant 0 : i32
    %dma_start3A_3 = tpu.memref_slice %arg5[%dma_start3A] : memref<512xi32, #tpu.memory_space<vmem>> -> memref<32xi32, #tpu.memory_space<vmem>>
    %dma_start3A_4 = arith.constant 0 : i32
    %dma_start3A_5 = arith.constant 0 : i32
    %dma_start3A_6 = tpu.memref_slice %arg2[%dma_start3A_4, %dma_start3A_5] : memref<30522x1024xf32, #tpu.memory_space<hbm>> -> memref<30522x1024xf32, #tpu.memory_space<hbm>>
    tpu.enqueue_indirect_dma source(%dma_start3A_6 : memref<30522x1024xf32, #tpu.memory_space<hbm>>) target(%arg6 : memref<32x1024xf32, #tpu.memory_space<vmem>>) offsets(%dma_start3A_3 : memref<32xi32, #tpu.memory_space<vmem>>) semaphore(%arg8 : memref<!tpu.dma_semaphore, #tpu.memory_space<semaphore_mem>>)
    %dma_wait3A = arith.constant 0 : i32
    %dma_wait3A_7 = tpu.memref_slice %arg5[%dma_wait3A] : memref<512xi32, #tpu.memory_space<vmem>> -> memref<32xi32, #tpu.memory_space<vmem>>
    %dma_wait3A_8 = arith.constant 0 : i32
    %dma_wait3A_9 = arith.constant 0 : i32
    %dma_wait3A_10 = tpu.memref_slice %arg2[%dma_wait3A_8, %dma_wait3A_9] : memref<30522x1024xf32, #tpu.memory_space<hbm>> -> memref<30522x1024xf32, #tpu.memory_space<hbm>>
    tpu.wait_indirect_dma semaphore(%arg8 : memref<!tpu.dma_semaphore, #tpu.memory_space<semaphore_mem>>) src(%dma_wait3A_10 : memref<30522x1024xf32, #tpu.memory_space<hbm>>) dst(%arg6 : memref<32x1024xf32, #tpu.memory_space<vmem>>)
    %dma_start3A_11 = arith.constant 32 : i32
    %dma_start3A_12 = tpu.memref_slice %arg5[%dma_start3A_11] : memref<512xi32, #tpu.memory_space<vmem>> -> memref<32xi32, #tpu.memory_space<vmem>>
    %dma_start3A_13 = arith.constant 0 : i32
    %dma_start3A_14 = arith.constant 0 : i32
    %dma_start3A_15 = tpu.memref_slice %arg2[%dma_start3A_13, %dma_start3A_14] : memref<30522x1024xf32, #tpu.memory_space<hbm>> -> memref<30522x1024xf32, #tpu.memory_space<hbm>>
    tpu.enqueue_indirect_dma source(%dma_start3A_15 : memref<30522x1024xf32, #tpu.memory_space<hbm>>) target(%arg7 : memref<32x1024xf32, #tpu.memory_space<vmem>>) offsets(%dma_start3A_12 : memref<32xi32, #tpu.memory_space<vmem>>) semaphore(%arg9 : memref<!tpu.dma_semaphore, #tpu.memory_space<semaphore_mem>>)
    %add3A_16 = arith.constant 0 : i32
    %add3A_17 = arith.addi %mul3A_2, %add3A_16 : i32
    %dma_start3A_18 = arith.constant 0 : i32
    %dma_start3A_19 = tpu.memref_slice %arg4[%add3A_17, %dma_start3A_18] : memref<16384x1024xf32, #tpu.memory_space<hbm>> -> memref<32x1024xf32, #tpu.memory_space<hbm>>
    %dma_start3A_20 = arith.constant 0 : i32
    %dma_start3A_21 = tpu.memref_slice %arg4[%add3A_17, %dma_start3A_20] : memref<16384x1024xf32, #tpu.memory_space<hbm>> -> memref<32x1024xf32, #tpu.memory_space<hbm>>
    tpu.enqueue_dma source(%arg6 : memref<32x1024xf32, #tpu.memory_space<vmem>>) target(%dma_start3A_21 : memref<32x1024xf32, #tpu.memory_space<hbm>>) target_semaphore(%arg10 : memref<!tpu.dma_semaphore, #tpu.memory_space<semaphore_mem>>)
    %dma_wait3A_22 = arith.constant 32 : i32
    %dma_wait3A_23 = tpu.memref_slice %arg5[%dma_wait3A_22] : memref<512xi32, #tpu.memory_space<vmem>> -> memref<32xi32, #tpu.memory_space<vmem>>
    %dma_wait3A_24 = arith.constant 0 : i32
    %dma_wait3A_25 = arith.constant 0 : i32
    %dma_wait3A_26 = tpu.memref_slice %arg2[%dma_wait3A_24, %dma_wait3A_25] : memref<30522x1024xf32, #tpu.memory_space<hbm>> -> memref<30522x1024xf32, #tpu.memory_space<hbm>>
    tpu.wait_indirect_dma semaphore(%arg9 : memref<!tpu.dma_semaphore, #tpu.memory_space<semaphore_mem>>) src(%dma_wait3A_26 : memref<30522x1024xf32, #tpu.memory_space<hbm>>) dst(%arg7 : memref<32x1024xf32, #tpu.memory_space<vmem>>)
    %dma_wait3A_27 = arith.constant 0 : i32
    %dma_wait3A_28 = tpu.memref_slice %arg4[%add3A_17, %dma_wait3A_27] : memref<16384x1024xf32, #tpu.memory_space<hbm>> -> memref<32x1024xf32, #tpu.memory_space<hbm>>
    %dma_wait3A_29 = arith.constant 0 : i32
    %dma_wait3A_30 = tpu.memref_slice %arg4[%add3A_17, %dma_wait3A_29] : memref<16384x1024xf32, #tpu.memory_space<hbm>> -> memref<32x1024xf32, #tpu.memory_space<hbm>>
    tpu.wait_dma2 semaphore(%arg10 : memref<!tpu.dma_semaphore, #tpu.memory_space<semaphore_mem>>) src(%arg6 : memref<32x1024xf32, #tpu.memory_space<vmem>>) dst(%dma_wait3A_30 : memref<32x1024xf32, #tpu.memory_space<hbm>>)
    %dma_start3A_31 = arith.constant 64 : i32
    %dma_start3A_32 = tpu.memref_slice %arg5[%dma_start3A_31] : memref<512xi32, #tpu.memory_space<vmem>> -> memref<32xi32, #tpu.memory_space<vmem>>
    %dma_start3A_33 = arith.constant 0 : i32
    %dma_start3A_34 = arith.constant 0 : i32
    %dma_start3A_35 = tpu.memref_slice %arg2[%dma_start3A_33, %dma_start3A_34] : memref<30522x1024xf32, #tpu.memory_space<hbm>> -> memref<30522x1024xf32, #tpu.memory_space<hbm>>
    tpu.enqueue_indirect_dma source(%dma_start3A_35 : memref<30522x1024xf32, #tpu.memory_space<hbm>>) target(%arg6 : memref<32x1024xf32, #tpu.memory_space<vmem>>) offsets(%dma_start3A_32 : memref<32xi32, #tpu.memory_space<vmem>>) semaphore(%arg8 : memref<!tpu.dma_semaphore, #tpu.memory_space<semaphore_mem>>)
    %add3A_36 = arith.constant 32 : i32
    %add3A_37 = arith.addi %mul3A_2, %add3A_36 : i32
    %dma_start3A_38 = arith.constant 0 : i32
    %dma_start3A_39 = tpu.memref_slice %arg4[%add3A_37, %dma_start3A_38] : memref<16384x1024xf32, #tpu.memory_space<hbm>> -> memref<32x1024xf32, #tpu.memory_space<hbm>>
    %dma_start3A_40 = arith.constant 0 : i32
    %dma_start3A_41 = tpu.memref_slice %arg4[%add3A_37, %dma_start3A_40] : memref<16384x1024xf32, #tpu.memory_space<hbm>> -> memref<32x1024xf32, #tpu.memory_space<hbm>>
    tpu.enqueue_dma source(%arg7 : memref<32x1024xf32, #tpu.memory_space<vmem>>) target(%dma_start3A_41 : memref<32x1024xf32, #tpu.memory_space<hbm>>) target_semaphore(%arg11 : memref<!tpu.dma_semaphore, #tpu.memory_space<semaphore_mem>>)
    %dma_wait3A_42 = arith.constant 64 : i32
    %dma_wait3A_43 = tpu.memref_slice %arg5[%dma_wait3A_42] : memref<512xi32, #tpu.memory_space<vmem>> -> memref<32xi32, #tpu.memory_space<vmem>>
    %dma_wait3A_44 = arith.constant 0 : i32
    %dma_wait3A_45 = arith.constant 0 : i32
    %dma_wait3A_46 = tpu.memref_slice %arg2[%dma_wait3A_44, %dma_wait3A_45] : memref<30522x1024xf32, #tpu.memory_space<hbm>> -> memref<30522x1024xf32, #tpu.memory_space<hbm>>
    tpu.wait_indirect_dma semaphore(%arg8 : memref<!tpu.dma_semaphore, #tpu.memory_space<semaphore_mem>>) src(%dma_wait3A_46 : memref<30522x1024xf32, #tpu.memory_space<hbm>>) dst(%arg6 : memref<32x1024xf32, #tpu.memory_space<vmem>>)
    %dma_wait3A_47 = arith.constant 0 : i32
    %dma_wait3A_48 = tpu.memref_slice %arg4[%add3A_37, %dma_wait3A_47] : memref<16384x1024xf32, #tpu.memory_space<hbm>> -> memref<32x1024xf32, #tpu.memory_space<hbm>>
    %dma_wait3A_49 = arith.constant 0 : i32
    %dma_wait3A_50 = tpu.memref_slice %arg4[%add3A_37, %dma_wait3A_49] : memref<16384x1024xf32, #tpu.memory_space<hbm>> -> memref<32x1024xf32, #tpu.memory_space<hbm>>
    tpu.wait_dma2 semaphore(%arg11 : memref<!tpu.dma_semaphore, #tpu.memory_space<semaphore_mem>>) src(%arg7 : memref<32x1024xf32, #tpu.memory_space<vmem>>) dst(%dma_wait3A_50 : memref<32x1024xf32, #tpu.memory_space<hbm>>)
    %dma_start3A_51 = arith.constant 96 : i32
    %dma_start3A_52 = tpu.memref_slice %arg5[%dma_start3A_51] : memref<512xi32, #tpu.memory_space<vmem>> -> memref<32xi32, #tpu.memory_space<vmem>>
    %dma_start3A_53 = arith.constant 0 : i32
    %dma_start3A_54 = arith.constant 0 : i32
    %dma_start3A_55 = tpu.memref_slice %arg2[%dma_start3A_53, %dma_start3A_54] : memref<30522x1024xf32, #tpu.memory_space<hbm>> -> memref<30522x1024xf32, #tpu.memory_space<hbm>>
    tpu.enqueue_indirect_dma source(%dma_start3A_55 : memref<30522x1024xf32, #tpu.memory_space<hbm>>) target(%arg7 : memref<32x1024xf32, #tpu.memory_space<vmem>>) offsets(%dma_start3A_52 : memref<32xi32, #tpu.memory_space<vmem>>) semaphore(%arg9 : memref<!tpu.dma_semaphore, #tpu.memory_space<semaphore_mem>>)
    %add3A_56 = arith.constant 64 : i32
    %add3A_57 = arith.addi %mul3A_2, %add3A_56 : i32
    %dma_start3A_58 = arith.constant 0 : i32
    %dma_start3A_59 = tpu.memref_slice %arg4[%add3A_57, %dma_start3A_58] : memref<16384x1024xf32, #tpu.memory_space<hbm>> -> memref<32x1024xf32, #tpu.memory_space<hbm>>
    %dma_start3A_60 = arith.constant 0 : i32
    %dma_start3A_61 = tpu.memref_slice %arg4[%add3A_57, %dma_start3A_60] : memref<16384x1024xf32, #tpu.memory_space<hbm>> -> memref<32x1024xf32, #tpu.memory_space<hbm>>
    tpu.enqueue_dma source(%arg6 : memref<32x1024xf32, #tpu.memory_space<vmem>>) target(%dma_start3A_61 : memref<32x1024xf32, #tpu.memory_space<hbm>>) target_semaphore(%arg10 : memref<!tpu.dma_semaphore, #tpu.memory_space<semaphore_mem>>)
    %dma_wait3A_62 = arith.constant 96 : i32
    %dma_wait3A_63 = tpu.memref_slice %arg5[%dma_wait3A_62] : memref<512xi32, #tpu.memory_space<vmem>> -> memref<32xi32, #tpu.memory_space<vmem>>
    %dma_wait3A_64 = arith.constant 0 : i32
    %dma_wait3A_65 = arith.constant 0 : i32
    %dma_wait3A_66 = tpu.memref_slice %arg2[%dma_wait3A_64, %dma_wait3A_65] : memref<30522x1024xf32, #tpu.memory_space<hbm>> -> memref<30522x1024xf32, #tpu.memory_space<hbm>>
    tpu.wait_indirect_dma semaphore(%arg9 : memref<!tpu.dma_semaphore, #tpu.memory_space<semaphore_mem>>) src(%dma_wait3A_66 : memref<30522x1024xf32, #tpu.memory_space<hbm>>) dst(%arg7 : memref<32x1024xf32, #tpu.memory_space<vmem>>)
    %dma_wait3A_67 = arith.constant 0 : i32
    %dma_wait3A_68 = tpu.memref_slice %arg4[%add3A_57, %dma_wait3A_67] : memref<16384x1024xf32, #tpu.memory_space<hbm>> -> memref<32x1024xf32, #tpu.memory_space<hbm>>
    %dma_wait3A_69 = arith.constant 0 : i32
    %dma_wait3A_70 = tpu.memref_slice %arg4[%add3A_57, %dma_wait3A_69] : memref<16384x1024xf32, #tpu.memory_space<hbm>> -> memref<32x1024xf32, #tpu.memory_space<hbm>>
    tpu.wait_dma2 semaphore(%arg10 : memref<!tpu.dma_semaphore, #tpu.memory_space<semaphore_mem>>) src(%arg6 : memref<32x1024xf32, #tpu.memory_space<vmem>>) dst(%dma_wait3A_70 : memref<32x1024xf32, #tpu.memory_space<hbm>>)
    %dma_start3A_71 = arith.constant 128 : i32
    %dma_start3A_72 = tpu.memref_slice %arg5[%dma_start3A_71] : memref<512xi32, #tpu.memory_space<vmem>> -> memref<32xi32, #tpu.memory_space<vmem>>
    %dma_start3A_73 = arith.constant 0 : i32
    %dma_start3A_74 = arith.constant 0 : i32
    %dma_start3A_75 = tpu.memref_slice %arg2[%dma_start3A_73, %dma_start3A_74] : memref<30522x1024xf32, #tpu.memory_space<hbm>> -> memref<30522x1024xf32, #tpu.memory_space<hbm>>
    tpu.enqueue_indirect_dma source(%dma_start3A_75 : memref<30522x1024xf32, #tpu.memory_space<hbm>>) target(%arg6 : memref<32x1024xf32, #tpu.memory_space<vmem>>) offsets(%dma_start3A_72 : memref<32xi32, #tpu.memory_space<vmem>>) semaphore(%arg8 : memref<!tpu.dma_semaphore, #tpu.memory_space<semaphore_mem>>)
    %add3A_76 = arith.constant 96 : i32
    %add3A_77 = arith.addi %mul3A_2, %add3A_76 : i32
    %dma_start3A_78 = arith.constant 0 : i32
    %dma_start3A_79 = tpu.memref_slice %arg4[%add3A_77, %dma_start3A_78] : memref<16384x1024xf32, #tpu.memory_space<hbm>> -> memref<32x1024xf32, #tpu.memory_space<hbm>>
    %dma_start3A_80 = arith.constant 0 : i32
    %dma_start3A_81 = tpu.memref_slice %arg4[%add3A_77, %dma_start3A_80] : memref<16384x1024xf32, #tpu.memory_space<hbm>> -> memref<32x1024xf32, #tpu.memory_space<hbm>>
    tpu.enqueue_dma source(%arg7 : memref<32x1024xf32, #tpu.memory_space<vmem>>) target(%dma_start3A_81 : memref<32x1024xf32, #tpu.memory_space<hbm>>) target_semaphore(%arg11 : memref<!tpu.dma_semaphore, #tpu.memory_space<semaphore_mem>>)
    %dma_wait3A_82 = arith.constant 128 : i32
    %dma_wait3A_83 = tpu.memref_slice %arg5[%dma_wait3A_82] : memref<512xi32, #tpu.memory_space<vmem>> -> memref<32xi32, #tpu.memory_space<vmem>>
    %dma_wait3A_84 = arith.constant 0 : i32
    %dma_wait3A_85 = arith.constant 0 : i32
    %dma_wait3A_86 = tpu.memref_slice %arg2[%dma_wait3A_84, %dma_wait3A_85] : memref<30522x1024xf32, #tpu.memory_space<hbm>> -> memref<30522x1024xf32, #tpu.memory_space<hbm>>
    tpu.wait_indirect_dma semaphore(%arg8 : memref<!tpu.dma_semaphore, #tpu.memory_space<semaphore_mem>>) src(%dma_wait3A_86 : memref<30522x1024xf32, #tpu.memory_space<hbm>>) dst(%arg6 : memref<32x1024xf32, #tpu.memory_space<vmem>>)
    %dma_wait3A_87 = arith.constant 0 : i32
    %dma_wait3A_88 = tpu.memref_slice %arg4[%add3A_77, %dma_wait3A_87] : memref<16384x1024xf32, #tpu.memory_space<hbm>> -> memref<32x1024xf32, #tpu.memory_space<hbm>>
    %dma_wait3A_89 = arith.constant 0 : i32
    %dma_wait3A_90 = tpu.memref_slice %arg4[%add3A_77, %dma_wait3A_89] : memref<16384x1024xf32, #tpu.memory_space<hbm>> -> memref<32x1024xf32, #tpu.memory_space<hbm>>
    tpu.wait_dma2 semaphore(%arg11 : memref<!tpu.dma_semaphore, #tpu.memory_space<semaphore_mem>>) src(%arg7 : memref<32x1024xf32, #tpu.memory_space<vmem>>) dst(%dma_wait3A_90 : memref<32x1024xf32, #tpu.memory_space<hbm>>)
    %dma_start3A_91 = arith.constant 160 : i32
    %dma_start3A_92 = tpu.memref_slice %arg5[%dma_start3A_91] : memref<512xi32, #tpu.memory_space<vmem>> -> memref<32xi32, #tpu.memory_space<vmem>>
    %dma_start3A_93 = arith.constant 0 : i32
    %dma_start3A_94 = arith.constant 0 : i32
    %dma_start3A_95 = tpu.memref_slice %arg2[%dma_start3A_93, %dma_start3A_94] : memref<30522x1024xf32, #tpu.memory_space<hbm>> -> memref<30522x1024xf32, #tpu.memory_space<hbm>>
    tpu.enqueue_indirect_dma source(%dma_start3A_95 : memref<30522x1024xf32, #tpu.memory_space<hbm>>) target(%arg7 : memref<32x1024xf32, #tpu.memory_space<vmem>>) offsets(%dma_start3A_92 : memref<32xi32, #tpu.memory_space<vmem>>) semaphore(%arg9 : memref<!tpu.dma_semaphore, #tpu.memory_space<semaphore_mem>>)
    %add3A_96 = arith.constant 128 : i32
    %add3A_97 = arith.addi %mul3A_2, %add3A_96 : i32
    %dma_start3A_98 = arith.constant 0 : i32
    %dma_start3A_99 = tpu.memref_slice %arg4[%add3A_97, %dma_start3A_98] : memref<16384x1024xf32, #tpu.memory_space<hbm>> -> memref<32x1024xf32, #tpu.memory_space<hbm>>
    %dma_start3A_100 = arith.constant 0 : i32
    %dma_start3A_101 = tpu.memref_slice %arg4[%add3A_97, %dma_start3A_100] : memref<16384x1024xf32, #tpu.memory_space<hbm>> -> memref<32x1024xf32, #tpu.memory_space<hbm>>
    tpu.enqueue_dma source(%arg6 : memref<32x1024xf32, #tpu.memory_space<vmem>>) target(%dma_start3A_101 : memref<32x1024xf32, #tpu.memory_space<hbm>>) target_semaphore(%arg10 : memref<!tpu.dma_semaphore, #tpu.memory_space<semaphore_mem>>)
    %dma_wait3A_102 = arith.constant 160 : i32
    %dma_wait3A_103 = tpu.memref_slice %arg5[%dma_wait3A_102] : memref<512xi32, #tpu.memory_space<vmem>> -> memref<32xi32, #tpu.memory_space<vmem>>
    %dma_wait3A_104 = arith.constant 0 : i32
    %dma_wait3A_105 = arith.constant 0 : i32
    %dma_wait3A_106 = tpu.memref_slice %arg2[%dma_wait3A_104, %dma_wait3A_105] : memref<30522x1024xf32, #tpu.memory_space<hbm>> -> memref<30522x1024xf32, #tpu.memory_space<hbm>>
    tpu.wait_indirect_dma semaphore(%arg9 : memref<!tpu.dma_semaphore, #tpu.memory_space<semaphore_mem>>) src(%dma_wait3A_106 : memref<30522x1024xf32, #tpu.memory_space<hbm>>) dst(%arg7 : memref<32x1024xf32, #tpu.memory_space<vmem>>)
    %dma_wait3A_107 = arith.constant 0 : i32
    %dma_wait3A_108 = tpu.memref_slice %arg4[%add3A_97, %dma_wait3A_107] : memref<16384x1024xf32, #tpu.memory_space<hbm>> -> memref<32x1024xf32, #tpu.memory_space<hbm>>
    %dma_wait3A_109 = arith.constant 0 : i32
    %dma_wait3A_110 = tpu.memref_slice %arg4[%add3A_97, %dma_wait3A_109] : memref<16384x1024xf32, #tpu.memory_space<hbm>> -> memref<32x1024xf32, #tpu.memory_space<hbm>>
    tpu.wait_dma2 semaphore(%arg10 : memref<!tpu.dma_semaphore, #tpu.memory_space<semaphore_mem>>) src(%arg6 : memref<32x1024xf32, #tpu.memory_space<vmem>>) dst(%dma_wait3A_110 : memref<32x1024xf32, #tpu.memory_space<hbm>>)
    %dma_start3A_111 = arith.constant 192 : i32
    %dma_start3A_112 = tpu.memref_slice %arg5[%dma_start3A_111] : memref<512xi32, #tpu.memory_space<vmem>> -> memref<32xi32, #tpu.memory_space<vmem>>
    %dma_start3A_113 = arith.constant 0 : i32
    %dma_start3A_114 = arith.constant 0 : i32
    %dma_start3A_115 = tpu.memref_slice %arg2[%dma_start3A_113, %dma_start3A_114] : memref<30522x1024xf32, #tpu.memory_space<hbm>> -> memref<30522x1024xf32, #tpu.memory_space<hbm>>
    tpu.enqueue_indirect_dma source(%dma_start3A_115 : memref<30522x1024xf32, #tpu.memory_space<hbm>>) target(%arg6 : memref<32x1024xf32, #tpu.memory_space<vmem>>) offsets(%dma_start3A_112 : memref<32xi32, #tpu.memory_space<vmem>>) semaphore(%arg8 : memref<!tpu.dma_semaphore, #tpu.memory_space<semaphore_mem>>)
    %add3A_116 = arith.constant 160 : i32
    %add3A_117 = arith.addi %mul3A_2, %add3A_116 : i32
    %dma_start3A_118 = arith.constant 0 : i32
    %dma_start3A_119 = tpu.memref_slice %arg4[%add3A_117, %dma_start3A_118] : memref<16384x1024xf32, #tpu.memory_space<hbm>> -> memref<32x1024xf32, #tpu.memory_space<hbm>>
    %dma_start3A_120 = arith.constant 0 : i32
    %dma_start3A_121 = tpu.memref_slice %arg4[%add3A_117, %dma_start3A_120] : memref<16384x1024xf32, #tpu.memory_space<hbm>> -> memref<32x1024xf32, #tpu.memory_space<hbm>>
    tpu.enqueue_dma source(%arg7 : memref<32x1024xf32, #tpu.memory_space<vmem>>) target(%dma_start3A_121 : memref<32x1024xf32, #tpu.memory_space<hbm>>) target_semaphore(%arg11 : memref<!tpu.dma_semaphore, #tpu.memory_space<semaphore_mem>>)
    %dma_wait3A_122 = arith.constant 192 : i32
    %dma_wait3A_123 = tpu.memref_slice %arg5[%dma_wait3A_122] : memref<512xi32, #tpu.memory_space<vmem>> -> memref<32xi32, #tpu.memory_space<vmem>>
    %dma_wait3A_124 = arith.constant 0 : i32
    %dma_wait3A_125 = arith.constant 0 : i32
    %dma_wait3A_126 = tpu.memref_slice %arg2[%dma_wait3A_124, %dma_wait3A_125] : memref<30522x1024xf32, #tpu.memory_space<hbm>> -> memref<30522x1024xf32, #tpu.memory_space<hbm>>
    tpu.wait_indirect_dma semaphore(%arg8 : memref<!tpu.dma_semaphore, #tpu.memory_space<semaphore_mem>>) src(%dma_wait3A_126 : memref<30522x1024xf32, #tpu.memory_space<hbm>>) dst(%arg6 : memref<32x1024xf32, #tpu.memory_space<vmem>>)
    %dma_wait3A_127 = arith.constant 0 : i32
    %dma_wait3A_128 = tpu.memref_slice %arg4[%add3A_117, %dma_wait3A_127] : memref<16384x1024xf32, #tpu.memory_space<hbm>> -> memref<32x1024xf32, #tpu.memory_space<hbm>>
    %dma_wait3A_129 = arith.constant 0 : i32
    %dma_wait3A_130 = tpu.memref_slice %arg4[%add3A_117, %dma_wait3A_129] : memref<16384x1024xf32, #tpu.memory_space<hbm>> -> memref<32x1024xf32, #tpu.memory_space<hbm>>
    tpu.wait_dma2 semaphore(%arg11 : memref<!tpu.dma_semaphore, #tpu.memory_space<semaphore_mem>>) src(%arg7 : memref<32x1024xf32, #tpu.memory_space<vmem>>) dst(%dma_wait3A_130 : memref<32x1024xf32, #tpu.memory_space<hbm>>)
    %dma_start3A_131 = arith.constant 224 : i32
    %dma_start3A_132 = tpu.memref_slice %arg5[%dma_start3A_131] : memref<512xi32, #tpu.memory_space<vmem>> -> memref<32xi32, #tpu.memory_space<vmem>>
    %dma_start3A_133 = arith.constant 0 : i32
    %dma_start3A_134 = arith.constant 0 : i32
    %dma_start3A_135 = tpu.memref_slice %arg2[%dma_start3A_133, %dma_start3A_134] : memref<30522x1024xf32, #tpu.memory_space<hbm>> -> memref<30522x1024xf32, #tpu.memory_space<hbm>>
    tpu.enqueue_indirect_dma source(%dma_start3A_135 : memref<30522x1024xf32, #tpu.memory_space<hbm>>) target(%arg7 : memref<32x1024xf32, #tpu.memory_space<vmem>>) offsets(%dma_start3A_132 : memref<32xi32, #tpu.memory_space<vmem>>) semaphore(%arg9 : memref<!tpu.dma_semaphore, #tpu.memory_space<semaphore_mem>>)
    %add3A_136 = arith.constant 192 : i32
    %add3A_137 = arith.addi %mul3A_2, %add3A_136 : i32
    %dma_start3A_138 = arith.constant 0 : i32
    %dma_start3A_139 = tpu.memref_slice %arg4[%add3A_137, %dma_start3A_138] : memref<16384x1024xf32, #tpu.memory_space<hbm>> -> memref<32x1024xf32, #tpu.memory_space<hbm>>
    %dma_start3A_140 = arith.constant 0 : i32
    %dma_start3A_141 = tpu.memref_slice %arg4[%add3A_137, %dma_start3A_140] : memref<16384x1024xf32, #tpu.memory_space<hbm>> -> memref<32x1024xf32, #tpu.memory_space<hbm>>
    tpu.enqueue_dma source(%arg6 : memref<32x1024xf32, #tpu.memory_space<vmem>>) target(%dma_start3A_141 : memref<32x1024xf32, #tpu.memory_space<hbm>>) target_semaphore(%arg10 : memref<!tpu.dma_semaphore, #tpu.memory_space<semaphore_mem>>)
    %dma_wait3A_142 = arith.constant 224 : i32
    %dma_wait3A_143 = tpu.memref_slice %arg5[%dma_wait3A_142] : memref<512xi32, #tpu.memory_space<vmem>> -> memref<32xi32, #tpu.memory_space<vmem>>
    %dma_wait3A_144 = arith.constant 0 : i32
    %dma_wait3A_145 = arith.constant 0 : i32
    %dma_wait3A_146 = tpu.memref_slice %arg2[%dma_wait3A_144, %dma_wait3A_145] : memref<30522x1024xf32, #tpu.memory_space<hbm>> -> memref<30522x1024xf32, #tpu.memory_space<hbm>>
    tpu.wait_indirect_dma semaphore(%arg9 : memref<!tpu.dma_semaphore, #tpu.memory_space<semaphore_mem>>) src(%dma_wait3A_146 : memref<30522x1024xf32, #tpu.memory_space<hbm>>) dst(%arg7 : memref<32x1024xf32, #tpu.memory_space<vmem>>)
    %dma_wait3A_147 = arith.constant 0 : i32
    %dma_wait3A_148 = tpu.memref_slice %arg4[%add3A_137, %dma_wait3A_147] : memref<16384x1024xf32, #tpu.memory_space<hbm>> -> memref<32x1024xf32, #tpu.memory_space<hbm>>
    %dma_wait3A_149 = arith.constant 0 : i32
    %dma_wait3A_150 = tpu.memref_slice %arg4[%add3A_137, %dma_wait3A_149] : memref<16384x1024xf32, #tpu.memory_space<hbm>> -> memref<32x1024xf32, #tpu.memory_space<hbm>>
    tpu.wait_dma2 semaphore(%arg10 : memref<!tpu.dma_semaphore, #tpu.memory_space<semaphore_mem>>) src(%arg6 : memref<32x1024xf32, #tpu.memory_space<vmem>>) dst(%dma_wait3A_150 : memref<32x1024xf32, #tpu.memory_space<hbm>>)
    %dma_start3A_151 = arith.constant 256 : i32
    %dma_start3A_152 = tpu.memref_slice %arg5[%dma_start3A_151] : memref<512xi32, #tpu.memory_space<vmem>> -> memref<32xi32, #tpu.memory_space<vmem>>
    %dma_start3A_153 = arith.constant 0 : i32
    %dma_start3A_154 = arith.constant 0 : i32
    %dma_start3A_155 = tpu.memref_slice %arg2[%dma_start3A_153, %dma_start3A_154] : memref<30522x1024xf32, #tpu.memory_space<hbm>> -> memref<30522x1024xf32, #tpu.memory_space<hbm>>
    tpu.enqueue_indirect_dma source(%dma_start3A_155 : memref<30522x1024xf32, #tpu.memory_space<hbm>>) target(%arg6 : memref<32x1024xf32, #tpu.memory_space<vmem>>) offsets(%dma_start3A_152 : memref<32xi32, #tpu.memory_space<vmem>>) semaphore(%arg8 : memref<!tpu.dma_semaphore, #tpu.memory_space<semaphore_mem>>)
    %add3A_156 = arith.constant 224 : i32
    %add3A_157 = arith.addi %mul3A_2, %add3A_156 : i32
    %dma_start3A_158 = arith.constant 0 : i32
    %dma_start3A_159 = tpu.memref_slice %arg4[%add3A_157, %dma_start3A_158] : memref<16384x1024xf32, #tpu.memory_space<hbm>> -> memref<32x1024xf32, #tpu.memory_space<hbm>>
    %dma_start3A_160 = arith.constant 0 : i32
    %dma_start3A_161 = tpu.memref_slice %arg4[%add3A_157, %dma_start3A_160] : memref<16384x1024xf32, #tpu.memory_space<hbm>> -> memref<32x1024xf32, #tpu.memory_space<hbm>>
    tpu.enqueue_dma source(%arg7 : memref<32x1024xf32, #tpu.memory_space<vmem>>) target(%dma_start3A_161 : memref<32x1024xf32, #tpu.memory_space<hbm>>) target_semaphore(%arg11 : memref<!tpu.dma_semaphore, #tpu.memory_space<semaphore_mem>>)
    %dma_wait3A_162 = arith.constant 256 : i32
    %dma_wait3A_163 = tpu.memref_slice %arg5[%dma_wait3A_162] : memref<512xi32, #tpu.memory_space<vmem>> -> memref<32xi32, #tpu.memory_space<vmem>>
    %dma_wait3A_164 = arith.constant 0 : i32
    %dma_wait3A_165 = arith.constant 0 : i32
    %dma_wait3A_166 = tpu.memref_slice %arg2[%dma_wait3A_164, %dma_wait3A_165] : memref<30522x1024xf32, #tpu.memory_space<hbm>> -> memref<30522x1024xf32, #tpu.memory_space<hbm>>
    tpu.wait_indirect_dma semaphore(%arg8 : memref<!tpu.dma_semaphore, #tpu.memory_space<semaphore_mem>>) src(%dma_wait3A_166 : memref<30522x1024xf32, #tpu.memory_space<hbm>>) dst(%arg6 : memref<32x1024xf32, #tpu.memory_space<vmem>>)
    %dma_wait3A_167 = arith.constant 0 : i32
    %dma_wait3A_168 = tpu.memref_slice %arg4[%add3A_157, %dma_wait3A_167] : memref<16384x1024xf32, #tpu.memory_space<hbm>> -> memref<32x1024xf32, #tpu.memory_space<hbm>>
    %dma_wait3A_169 = arith.constant 0 : i32
    %dma_wait3A_170 = tpu.memref_slice %arg4[%add3A_157, %dma_wait3A_169] : memref<16384x1024xf32, #tpu.memory_space<hbm>> -> memref<32x1024xf32, #tpu.memory_space<hbm>>
    tpu.wait_dma2 semaphore(%arg11 : memref<!tpu.dma_semaphore, #tpu.memory_space<semaphore_mem>>) src(%arg7 : memref<32x1024xf32, #tpu.memory_space<vmem>>) dst(%dma_wait3A_170 : memref<32x1024xf32, #tpu.memory_space<hbm>>)
    %dma_start3A_171 = arith.constant 288 : i32
    %dma_start3A_172 = tpu.memref_slice %arg5[%dma_start3A_171] : memref<512xi32, #tpu.memory_space<vmem>> -> memref<32xi32, #tpu.memory_space<vmem>>
    %dma_start3A_173 = arith.constant 0 : i32
    %dma_start3A_174 = arith.constant 0 : i32
    %dma_start3A_175 = tpu.memref_slice %arg2[%dma_start3A_173, %dma_start3A_174] : memref<30522x1024xf32, #tpu.memory_space<hbm>> -> memref<30522x1024xf32, #tpu.memory_space<hbm>>
    tpu.enqueue_indirect_dma source(%dma_start3A_175 : memref<30522x1024xf32, #tpu.memory_space<hbm>>) target(%arg7 : memref<32x1024xf32, #tpu.memory_space<vmem>>) offsets(%dma_start3A_172 : memref<32xi32, #tpu.memory_space<vmem>>) semaphore(%arg9 : memref<!tpu.dma_semaphore, #tpu.memory_space<semaphore_mem>>)
    %add3A_176 = arith.constant 256 : i32
    %add3A_177 = arith.addi %mul3A_2, %add3A_176 : i32
    %dma_start3A_178 = arith.constant 0 : i32
    %dma_start3A_179 = tpu.memref_slice %arg4[%add3A_177, %dma_start3A_178] : memref<16384x1024xf32, #tpu.memory_space<hbm>> -> memref<32x1024xf32, #tpu.memory_space<hbm>>
    %dma_start3A_180 = arith.constant 0 : i32
    %dma_start3A_181 = tpu.memref_slice %arg4[%add3A_177, %dma_start3A_180] : memref<16384x1024xf32, #tpu.memory_space<hbm>> -> memref<32x1024xf32, #tpu.memory_space<hbm>>
    tpu.enqueue_dma source(%arg6 : memref<32x1024xf32, #tpu.memory_space<vmem>>) target(%dma_start3A_181 : memref<32x1024xf32, #tpu.memory_space<hbm>>) target_semaphore(%arg10 : memref<!tpu.dma_semaphore, #tpu.memory_space<semaphore_mem>>)
    %dma_wait3A_182 = arith.constant 288 : i32
    %dma_wait3A_183 = tpu.memref_slice %arg5[%dma_wait3A_182] : memref<512xi32, #tpu.memory_space<vmem>> -> memref<32xi32, #tpu.memory_space<vmem>>
    %dma_wait3A_184 = arith.constant 0 : i32
    %dma_wait3A_185 = arith.constant 0 : i32
    %dma_wait3A_186 = tpu.memref_slice %arg2[%dma_wait3A_184, %dma_wait3A_185] : memref<30522x1024xf32, #tpu.memory_space<hbm>> -> memref<30522x1024xf32, #tpu.memory_space<hbm>>
    tpu.wait_indirect_dma semaphore(%arg9 : memref<!tpu.dma_semaphore, #tpu.memory_space<semaphore_mem>>) src(%dma_wait3A_186 : memref<30522x1024xf32, #tpu.memory_space<hbm>>) dst(%arg7 : memref<32x1024xf32, #tpu.memory_space<vmem>>)
    %dma_wait3A_187 = arith.constant 0 : i32
    %dma_wait3A_188 = tpu.memref_slice %arg4[%add3A_177, %dma_wait3A_187] : memref<16384x1024xf32, #tpu.memory_space<hbm>> -> memref<32x1024xf32, #tpu.memory_space<hbm>>
    %dma_wait3A_189 = arith.constant 0 : i32
    %dma_wait3A_190 = tpu.memref_slice %arg4[%add3A_177, %dma_wait3A_189] : memref<16384x1024xf32, #tpu.memory_space<hbm>> -> memref<32x1024xf32, #tpu.memory_space<hbm>>
    tpu.wait_dma2 semaphore(%arg10 : memref<!tpu.dma_semaphore, #tpu.memory_space<semaphore_mem>>) src(%arg6 : memref<32x1024xf32, #tpu.memory_space<vmem>>) dst(%dma_wait3A_190 : memref<32x1024xf32, #tpu.memory_space<hbm>>)
    %dma_start3A_191 = arith.constant 320 : i32
    %dma_start3A_192 = tpu.memref_slice %arg5[%dma_start3A_191] : memref<512xi32, #tpu.memory_space<vmem>> -> memref<32xi32, #tpu.memory_space<vmem>>
    %dma_start3A_193 = arith.constant 0 : i32
    %dma_start3A_194 = arith.constant 0 : i32
    %dma_start3A_195 = tpu.memref_slice %arg2[%dma_start3A_193, %dma_start3A_194] : memref<30522x1024xf32, #tpu.memory_space<hbm>> -> memref<30522x1024xf32, #tpu.memory_space<hbm>>
    tpu.enqueue_indirect_dma source(%dma_start3A_195 : memref<30522x1024xf32, #tpu.memory_space<hbm>>) target(%arg6 : memref<32x1024xf32, #tpu.memory_space<vmem>>) offsets(%dma_start3A_192 : memref<32xi32, #tpu.memory_space<vmem>>) semaphore(%arg8 : memref<!tpu.dma_semaphore, #tpu.memory_space<semaphore_mem>>)
    %add3A_196 = arith.constant 288 : i32
    %add3A_197 = arith.addi %mul3A_2, %add3A_196 : i32
    %dma_start3A_198 = arith.constant 0 : i32
    %dma_start3A_199 = tpu.memref_slice %arg4[%add3A_197, %dma_start3A_198] : memref<16384x1024xf32, #tpu.memory_space<hbm>> -> memref<32x1024xf32, #tpu.memory_space<hbm>>
    %dma_start3A_200 = arith.constant 0 : i32
    %dma_start3A_201 = tpu.memref_slice %arg4[%add3A_197, %dma_start3A_200] : memref<16384x1024xf32, #tpu.memory_space<hbm>> -> memref<32x1024xf32, #tpu.memory_space<hbm>>
    tpu.enqueue_dma source(%arg7 : memref<32x1024xf32, #tpu.memory_space<vmem>>) target(%dma_start3A_201 : memref<32x1024xf32, #tpu.memory_space<hbm>>) target_semaphore(%arg11 : memref<!tpu.dma_semaphore, #tpu.memory_space<semaphore_mem>>)
    %dma_wait3A_202 = arith.constant 320 : i32
    %dma_wait3A_203 = tpu.memref_slice %arg5[%dma_wait3A_202] : memref<512xi32, #tpu.memory_space<vmem>> -> memref<32xi32, #tpu.memory_space<vmem>>
    %dma_wait3A_204 = arith.constant 0 : i32
    %dma_wait3A_205 = arith.constant 0 : i32
    %dma_wait3A_206 = tpu.memref_slice %arg2[%dma_wait3A_204, %dma_wait3A_205] : memref<30522x1024xf32, #tpu.memory_space<hbm>> -> memref<30522x1024xf32, #tpu.memory_space<hbm>>
    tpu.wait_indirect_dma semaphore(%arg8 : memref<!tpu.dma_semaphore, #tpu.memory_space<semaphore_mem>>) src(%dma_wait3A_206 : memref<30522x1024xf32, #tpu.memory_space<hbm>>) dst(%arg6 : memref<32x1024xf32, #tpu.memory_space<vmem>>)
    %dma_wait3A_207 = arith.constant 0 : i32
    %dma_wait3A_208 = tpu.memref_slice %arg4[%add3A_197, %dma_wait3A_207] : memref<16384x1024xf32, #tpu.memory_space<hbm>> -> memref<32x1024xf32, #tpu.memory_space<hbm>>
    %dma_wait3A_209 = arith.constant 0 : i32
    %dma_wait3A_210 = tpu.memref_slice %arg4[%add3A_197, %dma_wait3A_209] : memref<16384x1024xf32, #tpu.memory_space<hbm>> -> memref<32x1024xf32, #tpu.memory_space<hbm>>
    tpu.wait_dma2 semaphore(%arg11 : memref<!tpu.dma_semaphore, #tpu.memory_space<semaphore_mem>>) src(%arg7 : memref<32x1024xf32, #tpu.memory_space<vmem>>) dst(%dma_wait3A_210 : memref<32x1024xf32, #tpu.memory_space<hbm>>)
    %dma_start3A_211 = arith.constant 352 : i32
    %dma_start3A_212 = tpu.memref_slice %arg5[%dma_start3A_211] : memref<512xi32, #tpu.memory_space<vmem>> -> memref<32xi32, #tpu.memory_space<vmem>>
    %dma_start3A_213 = arith.constant 0 : i32
    %dma_start3A_214 = arith.constant 0 : i32
    %dma_start3A_215 = tpu.memref_slice %arg2[%dma_start3A_213, %dma_start3A_214] : memref<30522x1024xf32, #tpu.memory_space<hbm>> -> memref<30522x1024xf32, #tpu.memory_space<hbm>>
    tpu.enqueue_indirect_dma source(%dma_start3A_215 : memref<30522x1024xf32, #tpu.memory_space<hbm>>) target(%arg7 : memref<32x1024xf32, #tpu.memory_space<vmem>>) offsets(%dma_start3A_212 : memref<32xi32, #tpu.memory_space<vmem>>) semaphore(%arg9 : memref<!tpu.dma_semaphore, #tpu.memory_space<semaphore_mem>>)
    %add3A_216 = arith.constant 320 : i32
    %add3A_217 = arith.addi %mul3A_2, %add3A_216 : i32
    %dma_start3A_218 = arith.constant 0 : i32
    %dma_start3A_219 = tpu.memref_slice %arg4[%add3A_217, %dma_start3A_218] : memref<16384x1024xf32, #tpu.memory_space<hbm>> -> memref<32x1024xf32, #tpu.memory_space<hbm>>
    %dma_start3A_220 = arith.constant 0 : i32
    %dma_start3A_221 = tpu.memref_slice %arg4[%add3A_217, %dma_start3A_220] : memref<16384x1024xf32, #tpu.memory_space<hbm>> -> memref<32x1024xf32, #tpu.memory_space<hbm>>
    tpu.enqueue_dma source(%arg6 : memref<32x1024xf32, #tpu.memory_space<vmem>>) target(%dma_start3A_221 : memref<32x1024xf32, #tpu.memory_space<hbm>>) target_semaphore(%arg10 : memref<!tpu.dma_semaphore, #tpu.memory_space<semaphore_mem>>)
    %dma_wait3A_222 = arith.constant 352 : i32
    %dma_wait3A_223 = tpu.memref_slice %arg5[%dma_wait3A_222] : memref<512xi32, #tpu.memory_space<vmem>> -> memref<32xi32, #tpu.memory_space<vmem>>
    %dma_wait3A_224 = arith.constant 0 : i32
    %dma_wait3A_225 = arith.constant 0 : i32
    %dma_wait3A_226 = tpu.memref_slice %arg2[%dma_wait3A_224, %dma_wait3A_225] : memref<30522x1024xf32, #tpu.memory_space<hbm>> -> memref<30522x1024xf32, #tpu.memory_space<hbm>>
    tpu.wait_indirect_dma semaphore(%arg9 : memref<!tpu.dma_semaphore, #tpu.memory_space<semaphore_mem>>) src(%dma_wait3A_226 : memref<30522x1024xf32, #tpu.memory_space<hbm>>) dst(%arg7 : memref<32x1024xf32, #tpu.memory_space<vmem>>)
    %dma_wait3A_227 = arith.constant 0 : i32
    %dma_wait3A_228 = tpu.memref_slice %arg4[%add3A_217, %dma_wait3A_227] : memref<16384x1024xf32, #tpu.memory_space<hbm>> -> memref<32x1024xf32, #tpu.memory_space<hbm>>
    %dma_wait3A_229 = arith.constant 0 : i32
    %dma_wait3A_230 = tpu.memref_slice %arg4[%add3A_217, %dma_wait3A_229] : memref<16384x1024xf32, #tpu.memory_space<hbm>> -> memref<32x1024xf32, #tpu.memory_space<hbm>>
    tpu.wait_dma2 semaphore(%arg10 : memref<!tpu.dma_semaphore, #tpu.memory_space<semaphore_mem>>) src(%arg6 : memref<32x1024xf32, #tpu.memory_space<vmem>>) dst(%dma_wait3A_230 : memref<32x1024xf32, #tpu.memory_space<hbm>>)
    %dma_start3A_231 = arith.constant 384 : i32
    %dma_start3A_232 = tpu.memref_slice %arg5[%dma_start3A_231] : memref<512xi32, #tpu.memory_space<vmem>> -> memref<32xi32, #tpu.memory_space<vmem>>
    %dma_start3A_233 = arith.constant 0 : i32
    %dma_start3A_234 = arith.constant 0 : i32
    %dma_start3A_235 = tpu.memref_slice %arg2[%dma_start3A_233, %dma_start3A_234] : memref<30522x1024xf32, #tpu.memory_space<hbm>> -> memref<30522x1024xf32, #tpu.memory_space<hbm>>
    tpu.enqueue_indirect_dma source(%dma_start3A_235 : memref<30522x1024xf32, #tpu.memory_space<hbm>>) target(%arg6 : memref<32x1024xf32, #tpu.memory_space<vmem>>) offsets(%dma_start3A_232 : memref<32xi32, #tpu.memory_space<vmem>>) semaphore(%arg8 : memref<!tpu.dma_semaphore, #tpu.memory_space<semaphore_mem>>)
    %add3A_236 = arith.constant 352 : i32
    %add3A_237 = arith.addi %mul3A_2, %add3A_236 : i32
    %dma_start3A_238 = arith.constant 0 : i32
    %dma_start3A_239 = tpu.memref_slice %arg4[%add3A_237, %dma_start3A_238] : memref<16384x1024xf32, #tpu.memory_space<hbm>> -> memref<32x1024xf32, #tpu.memory_space<hbm>>
    %dma_start3A_240 = arith.constant 0 : i32
    %dma_start3A_241 = tpu.memref_slice %arg4[%add3A_237, %dma_start3A_240] : memref<16384x1024xf32, #tpu.memory_space<hbm>> -> memref<32x1024xf32, #tpu.memory_space<hbm>>
    tpu.enqueue_dma source(%arg7 : memref<32x1024xf32, #tpu.memory_space<vmem>>) target(%dma_start3A_241 : memref<32x1024xf32, #tpu.memory_space<hbm>>) target_semaphore(%arg11 : memref<!tpu.dma_semaphore, #tpu.memory_space<semaphore_mem>>)
    %dma_wait3A_242 = arith.constant 384 : i32
    %dma_wait3A_243 = tpu.memref_slice %arg5[%dma_wait3A_242] : memref<512xi32, #tpu.memory_space<vmem>> -> memref<32xi32, #tpu.memory_space<vmem>>
    %dma_wait3A_244 = arith.constant 0 : i32
    %dma_wait3A_245 = arith.constant 0 : i32
    %dma_wait3A_246 = tpu.memref_slice %arg2[%dma_wait3A_244, %dma_wait3A_245] : memref<30522x1024xf32, #tpu.memory_space<hbm>> -> memref<30522x1024xf32, #tpu.memory_space<hbm>>
    tpu.wait_indirect_dma semaphore(%arg8 : memref<!tpu.dma_semaphore, #tpu.memory_space<semaphore_mem>>) src(%dma_wait3A_246 : memref<30522x1024xf32, #tpu.memory_space<hbm>>) dst(%arg6 : memref<32x1024xf32, #tpu.memory_space<vmem>>)
    %dma_wait3A_247 = arith.constant 0 : i32
    %dma_wait3A_248 = tpu.memref_slice %arg4[%add3A_237, %dma_wait3A_247] : memref<16384x1024xf32, #tpu.memory_space<hbm>> -> memref<32x1024xf32, #tpu.memory_space<hbm>>
    %dma_wait3A_249 = arith.constant 0 : i32
    %dma_wait3A_250 = tpu.memref_slice %arg4[%add3A_237, %dma_wait3A_249] : memref<16384x1024xf32, #tpu.memory_space<hbm>> -> memref<32x1024xf32, #tpu.memory_space<hbm>>
    tpu.wait_dma2 semaphore(%arg11 : memref<!tpu.dma_semaphore, #tpu.memory_space<semaphore_mem>>) src(%arg7 : memref<32x1024xf32, #tpu.memory_space<vmem>>) dst(%dma_wait3A_250 : memref<32x1024xf32, #tpu.memory_space<hbm>>)
    %dma_start3A_251 = arith.constant 416 : i32
    %dma_start3A_252 = tpu.memref_slice %arg5[%dma_start3A_251] : memref<512xi32, #tpu.memory_space<vmem>> -> memref<32xi32, #tpu.memory_space<vmem>>
    %dma_start3A_253 = arith.constant 0 : i32
    %dma_start3A_254 = arith.constant 0 : i32
    %dma_start3A_255 = tpu.memref_slice %arg2[%dma_start3A_253, %dma_start3A_254] : memref<30522x1024xf32, #tpu.memory_space<hbm>> -> memref<30522x1024xf32, #tpu.memory_space<hbm>>
    tpu.enqueue_indirect_dma source(%dma_start3A_255 : memref<30522x1024xf32, #tpu.memory_space<hbm>>) target(%arg7 : memref<32x1024xf32, #tpu.memory_space<vmem>>) offsets(%dma_start3A_252 : memref<32xi32, #tpu.memory_space<vmem>>) semaphore(%arg9 : memref<!tpu.dma_semaphore, #tpu.memory_space<semaphore_mem>>)
    %add3A_256 = arith.constant 384 : i32
    %add3A_257 = arith.addi %mul3A_2, %add3A_256 : i32
    %dma_start3A_258 = arith.constant 0 : i32
    %dma_start3A_259 = tpu.memref_slice %arg4[%add3A_257, %dma_start3A_258] : memref<16384x1024xf32, #tpu.memory_space<hbm>> -> memref<32x1024xf32, #tpu.memory_space<hbm>>
    %dma_start3A_260 = arith.constant 0 : i32
    %dma_start3A_261 = tpu.memref_slice %arg4[%add3A_257, %dma_start3A_260] : memref<16384x1024xf32, #tpu.memory_space<hbm>> -> memref<32x1024xf32, #tpu.memory_space<hbm>>
    tpu.enqueue_dma source(%arg6 : memref<32x1024xf32, #tpu.memory_space<vmem>>) target(%dma_start3A_261 : memref<32x1024xf32, #tpu.memory_space<hbm>>) target_semaphore(%arg10 : memref<!tpu.dma_semaphore, #tpu.memory_space<semaphore_mem>>)
    %dma_wait3A_262 = arith.constant 416 : i32
    %dma_wait3A_263 = tpu.memref_slice %arg5[%dma_wait3A_262] : memref<512xi32, #tpu.memory_space<vmem>> -> memref<32xi32, #tpu.memory_space<vmem>>
    %dma_wait3A_264 = arith.constant 0 : i32
    %dma_wait3A_265 = arith.constant 0 : i32
    %dma_wait3A_266 = tpu.memref_slice %arg2[%dma_wait3A_264, %dma_wait3A_265] : memref<30522x1024xf32, #tpu.memory_space<hbm>> -> memref<30522x1024xf32, #tpu.memory_space<hbm>>
    tpu.wait_indirect_dma semaphore(%arg9 : memref<!tpu.dma_semaphore, #tpu.memory_space<semaphore_mem>>) src(%dma_wait3A_266 : memref<30522x1024xf32, #tpu.memory_space<hbm>>) dst(%arg7 : memref<32x1024xf32, #tpu.memory_space<vmem>>)
    %dma_wait3A_267 = arith.constant 0 : i32
    %dma_wait3A_268 = tpu.memref_slice %arg4[%add3A_257, %dma_wait3A_267] : memref<16384x1024xf32, #tpu.memory_space<hbm>> -> memref<32x1024xf32, #tpu.memory_space<hbm>>
    %dma_wait3A_269 = arith.constant 0 : i32
    %dma_wait3A_270 = tpu.memref_slice %arg4[%add3A_257, %dma_wait3A_269] : memref<16384x1024xf32, #tpu.memory_space<hbm>> -> memref<32x1024xf32, #tpu.memory_space<hbm>>
    tpu.wait_dma2 semaphore(%arg10 : memref<!tpu.dma_semaphore, #tpu.memory_space<semaphore_mem>>) src(%arg6 : memref<32x1024xf32, #tpu.memory_space<vmem>>) dst(%dma_wait3A_270 : memref<32x1024xf32, #tpu.memory_space<hbm>>)
    %dma_start3A_271 = arith.constant 448 : i32
    %dma_start3A_272 = tpu.memref_slice %arg5[%dma_start3A_271] : memref<512xi32, #tpu.memory_space<vmem>> -> memref<32xi32, #tpu.memory_space<vmem>>
    %dma_start3A_273 = arith.constant 0 : i32
    %dma_start3A_274 = arith.constant 0 : i32
    %dma_start3A_275 = tpu.memref_slice %arg2[%dma_start3A_273, %dma_start3A_274] : memref<30522x1024xf32, #tpu.memory_space<hbm>> -> memref<30522x1024xf32, #tpu.memory_space<hbm>>
    tpu.enqueue_indirect_dma source(%dma_start3A_275 : memref<30522x1024xf32, #tpu.memory_space<hbm>>) target(%arg6 : memref<32x1024xf32, #tpu.memory_space<vmem>>) offsets(%dma_start3A_272 : memref<32xi32, #tpu.memory_space<vmem>>) semaphore(%arg8 : memref<!tpu.dma_semaphore, #tpu.memory_space<semaphore_mem>>)
    %add3A_276 = arith.constant 416 : i32
    %add3A_277 = arith.addi %mul3A_2, %add3A_276 : i32
    %dma_start3A_278 = arith.constant 0 : i32
    %dma_start3A_279 = tpu.memref_slice %arg4[%add3A_277, %dma_start3A_278] : memref<16384x1024xf32, #tpu.memory_space<hbm>> -> memref<32x1024xf32, #tpu.memory_space<hbm>>
    %dma_start3A_280 = arith.constant 0 : i32
    %dma_start3A_281 = tpu.memref_slice %arg4[%add3A_277, %dma_start3A_280] : memref<16384x1024xf32, #tpu.memory_space<hbm>> -> memref<32x1024xf32, #tpu.memory_space<hbm>>
    tpu.enqueue_dma source(%arg7 : memref<32x1024xf32, #tpu.memory_space<vmem>>) target(%dma_start3A_281 : memref<32x1024xf32, #tpu.memory_space<hbm>>) target_semaphore(%arg11 : memref<!tpu.dma_semaphore, #tpu.memory_space<semaphore_mem>>)
    %dma_wait3A_282 = arith.constant 448 : i32
    %dma_wait3A_283 = tpu.memref_slice %arg5[%dma_wait3A_282] : memref<512xi32, #tpu.memory_space<vmem>> -> memref<32xi32, #tpu.memory_space<vmem>>
    %dma_wait3A_284 = arith.constant 0 : i32
    %dma_wait3A_285 = arith.constant 0 : i32
    %dma_wait3A_286 = tpu.memref_slice %arg2[%dma_wait3A_284, %dma_wait3A_285] : memref<30522x1024xf32, #tpu.memory_space<hbm>> -> memref<30522x1024xf32, #tpu.memory_space<hbm>>
    tpu.wait_indirect_dma semaphore(%arg8 : memref<!tpu.dma_semaphore, #tpu.memory_space<semaphore_mem>>) src(%dma_wait3A_286 : memref<30522x1024xf32, #tpu.memory_space<hbm>>) dst(%arg6 : memref<32x1024xf32, #tpu.memory_space<vmem>>)
    %dma_wait3A_287 = arith.constant 0 : i32
    %dma_wait3A_288 = tpu.memref_slice %arg4[%add3A_277, %dma_wait3A_287] : memref<16384x1024xf32, #tpu.memory_space<hbm>> -> memref<32x1024xf32, #tpu.memory_space<hbm>>
    %dma_wait3A_289 = arith.constant 0 : i32
    %dma_wait3A_290 = tpu.memref_slice %arg4[%add3A_277, %dma_wait3A_289] : memref<16384x1024xf32, #tpu.memory_space<hbm>> -> memref<32x1024xf32, #tpu.memory_space<hbm>>
    tpu.wait_dma2 semaphore(%arg11 : memref<!tpu.dma_semaphore, #tpu.memory_space<semaphore_mem>>) src(%arg7 : memref<32x1024xf32, #tpu.memory_space<vmem>>) dst(%dma_wait3A_290 : memref<32x1024xf32, #tpu.memory_space<hbm>>)
    %dma_start3A_291 = arith.constant 480 : i32
    %dma_start3A_292 = tpu.memref_slice %arg5[%dma_start3A_291] : memref<512xi32, #tpu.memory_space<vmem>> -> memref<32xi32, #tpu.memory_space<vmem>>
    %dma_start3A_293 = arith.constant 0 : i32
    %dma_start3A_294 = arith.constant 0 : i32
    %dma_start3A_295 = tpu.memref_slice %arg2[%dma_start3A_293, %dma_start3A_294] : memref<30522x1024xf32, #tpu.memory_space<hbm>> -> memref<30522x1024xf32, #tpu.memory_space<hbm>>
    tpu.enqueue_indirect_dma source(%dma_start3A_295 : memref<30522x1024xf32, #tpu.memory_space<hbm>>) target(%arg7 : memref<32x1024xf32, #tpu.memory_space<vmem>>) offsets(%dma_start3A_292 : memref<32xi32, #tpu.memory_space<vmem>>) semaphore(%arg9 : memref<!tpu.dma_semaphore, #tpu.memory_space<semaphore_mem>>)
    %add3A_296 = arith.constant 448 : i32
    %add3A_297 = arith.addi %mul3A_2, %add3A_296 : i32
    %dma_start3A_298 = arith.constant 0 : i32
    %dma_start3A_299 = tpu.memref_slice %arg4[%add3A_297, %dma_start3A_298] : memref<16384x1024xf32, #tpu.memory_space<hbm>> -> memref<32x1024xf32, #tpu.memory_space<hbm>>
    %dma_start3A_300 = arith.constant 0 : i32
    %dma_start3A_301 = tpu.memref_slice %arg4[%add3A_297, %dma_start3A_300] : memref<16384x1024xf32, #tpu.memory_space<hbm>> -> memref<32x1024xf32, #tpu.memory_space<hbm>>
    tpu.enqueue_dma source(%arg6 : memref<32x1024xf32, #tpu.memory_space<vmem>>) target(%dma_start3A_301 : memref<32x1024xf32, #tpu.memory_space<hbm>>) target_semaphore(%arg10 : memref<!tpu.dma_semaphore, #tpu.memory_space<semaphore_mem>>)
    %dma_wait3A_302 = arith.constant 480 : i32
    %dma_wait3A_303 = tpu.memref_slice %arg5[%dma_wait3A_302] : memref<512xi32, #tpu.memory_space<vmem>> -> memref<32xi32, #tpu.memory_space<vmem>>
    %dma_wait3A_304 = arith.constant 0 : i32
    %dma_wait3A_305 = arith.constant 0 : i32
    %dma_wait3A_306 = tpu.memref_slice %arg2[%dma_wait3A_304, %dma_wait3A_305] : memref<30522x1024xf32, #tpu.memory_space<hbm>> -> memref<30522x1024xf32, #tpu.memory_space<hbm>>
    tpu.wait_indirect_dma semaphore(%arg9 : memref<!tpu.dma_semaphore, #tpu.memory_space<semaphore_mem>>) src(%dma_wait3A_306 : memref<30522x1024xf32, #tpu.memory_space<hbm>>) dst(%arg7 : memref<32x1024xf32, #tpu.memory_space<vmem>>)
    %add3A_307 = arith.constant 480 : i32
    %add3A_308 = arith.addi %mul3A_2, %add3A_307 : i32
    %dma_start3A_309 = arith.constant 0 : i32
    %dma_start3A_310 = tpu.memref_slice %arg4[%add3A_308, %dma_start3A_309] : memref<16384x1024xf32, #tpu.memory_space<hbm>> -> memref<32x1024xf32, #tpu.memory_space<hbm>>
    %dma_start3A_311 = arith.constant 0 : i32
    %dma_start3A_312 = tpu.memref_slice %arg4[%add3A_308, %dma_start3A_311] : memref<16384x1024xf32, #tpu.memory_space<hbm>> -> memref<32x1024xf32, #tpu.memory_space<hbm>>
    tpu.enqueue_dma source(%arg7 : memref<32x1024xf32, #tpu.memory_space<vmem>>) target(%dma_start3A_312 : memref<32x1024xf32, #tpu.memory_space<hbm>>) target_semaphore(%arg11 : memref<!tpu.dma_semaphore, #tpu.memory_space<semaphore_mem>>)
    %dma_wait3A_313 = arith.constant 0 : i32
    %dma_wait3A_314 = tpu.memref_slice %arg4[%add3A_308, %dma_wait3A_313] : memref<16384x1024xf32, #tpu.memory_space<hbm>> -> memref<32x1024xf32, #tpu.memory_space<hbm>>
    %dma_wait3A_315 = arith.constant 0 : i32
    %dma_wait3A_316 = tpu.memref_slice %arg4[%add3A_308, %dma_wait3A_315] : memref<16384x1024xf32, #tpu.memory_space<hbm>> -> memref<32x1024xf32, #tpu.memory_space<hbm>>
    tpu.wait_dma2 semaphore(%arg11 : memref<!tpu.dma_semaphore, #tpu.memory_space<semaphore_mem>>) src(%arg7 : memref<32x1024xf32, #tpu.memory_space<vmem>>) dst(%dma_wait3A_316 : memref<32x1024xf32, #tpu.memory_space<hbm>>)
    %dma_wait3A_317 = arith.constant 0 : i32
    %dma_wait3A_318 = tpu.memref_slice %arg4[%add3A_297, %dma_wait3A_317] : memref<16384x1024xf32, #tpu.memory_space<hbm>> -> memref<32x1024xf32, #tpu.memory_space<hbm>>
    %dma_wait3A_319 = arith.constant 0 : i32
    %dma_wait3A_320 = tpu.memref_slice %arg4[%add3A_297, %dma_wait3A_319] : memref<16384x1024xf32, #tpu.memory_space<hbm>> -> memref<32x1024xf32, #tpu.memory_space<hbm>>
    tpu.wait_dma2 semaphore(%arg10 : memref<!tpu.dma_semaphore, #tpu.memory_space<semaphore_mem>>) src(%arg6 : memref<32x1024xf32, #tpu.memory_space<vmem>>) dst(%dma_wait3A_320 : memref<32x1024xf32, #tpu.memory_space<hbm>>)
    return
  }
}

</mosaic_0001>

<sc_bundles>
// kernel: _sc_gather.3.cloned.1.call-start
scs
__scs_entry_jumppad:
0x0: {  	(pc) =	sbr.rel $0x88, $3  }
0x1: {  	(tag) =	ssettag $0x0;
	lr =	simm.s32 $0x1  }
0x2: {  	[smem:$0x3F9F] =	sst lr;
	_ =	strace $0xD0000000  }
0x3: {  	_ = 	snop  }
0x4: {  	_ = 	snop  }
0x5: {  	_ = 	snop  }
0x6: {  	_ = 	snop  }
0x7: {  	_ = 	snop  }
__scs_overlays_trampoline_lowered:
0x8: {  	[smem:$0x3FAE] =	sst s0  }
0x9: {  	[smem:$0x3FAF] =	sst s1  }
0xa: {  	[smem:$0x3FB0] =	sst s2  }
0xb: {  	[smem:$0x3FB1] =	sst s3  }
0xc: {  	[smem:$0x3FB2] =	sst s4  }
0xd: {  	[smem:$0x3FB3] =	sst s5  }
0xe: {  	[smem:$0x3FB4] =	sst s6  }
0xf: {  	[smem:$0x3FB5] =	sst s7  }
0x10: {  	[smem:$0x3FB6] =	sst s8  }
0x11: {  	[smem:$0x3FB7] =	sst s9;
	s0 =	simm.s32 @!p0 $0x0  }
0x12: {  	s1 =	sld [smem:$0x3F9D];
	s0 =	simm.s32 @p0 $0x1  }
0x13: {  	[smem:$0x3FB8] =	sst s0;
	s0 =	simm.s32 @!p1 $0x0  }
0x14: {  	s2 =	sld [smem:$0x3F9C];
	s0 =	simm.s32 @p1 $0x1  }
0x15: {  	[smem:$0x3FB9] =	sst s0;
	s0 =	simm.s32 @!p2 $0x0  }
0x16: {  	s3 =	sld [smem:$0x3FDB];
	s0 =	simm.s32 @p2 $0x1  }
0x17: {  	s4 =	simm.s32 $0x1BF5;
	[smem:$0x3FBB] =	sst s0  }
0x18: {  	s0 =	sld [smem:$0x3F9E];
	_ =	swait.ge [sflag:s4], $0x0  }
0x19: {  	s7 =	sld [smem:$0x3F9F]  }
0x1a: {  	s8 =	sadd.s32 $0xFFFFE003, lr  }
0x1b: {  	s9 =	sadd.s32 $0xFFFFFEF7, lr;
	s5 =	simm.s32 $0xFFFFFFFF;
	p2 =	slt.u32 s8, $0xFFFFF086  }
0x1c: {  	p1 =	slt.u32 s9, $0xF7A;
	s5 =	simm.s32 @!p2 $0x0  }
0x1d: {  	s5 =	simm.s32 @p1 $0x1;
	p0 =	seq.s32 s7, s2  }
0x1e: {  	s7 =	smul.u32 @!p0 $0xF7A, s2;
	p2 =	seq.s32 @!p0 s5, $0x0  }
0x1f: {  	s9 =	smul.u32 $0xF7A, s1;
	s8 =	simm.s32 @!p0 $0x1BF5;
	p2 =	por !p2, p0  }
0x20: {  	[sflag:s8] =	ssyncset.s32 @!p0 $0xFFFFF086;
	s6 =	sadd.s32 @!p0 s3, s7;
	s7 =	simm.s32 @!p0 $0x108  }
0x21: {  	s3 =	sadd.s32 s3, s9;
	s6 =	sadd.s32 @!p0 $0x88, s6;
	s7 =	simm.s32 @p2 $0x1082  }
0x22: {  	[simem:s7], [sflag:s8] =	dma.local @!p0 [hbm:s6], $0xF7A  }
0x23: {  	s9 =	sor.u32 $0xD0000000, s2;
	s6 =	simm.s32 $0x108;
	_ =	swait.ge @!p0 [sflag:s8], $0x0  }
0x24: {  	s3 =	sadd.s32 $0x88, s3;
	s6 =	simm.s32 @!p1 $0x1082;
	[sflag:s4] =	ssyncset.s32 $0xFFFFF086  }
0x25: {  	[simem:s6], [sflag:s4] =	dma.local [hbm:s3], $0xF7A  }
0x26: {  	[smem:$0x3F9F] =	sst s1;
	(tag) =	ssettag s2;
	_ =	strace s9  }
0x27: {  	s1 =	sld [smem:$0x3FAF]  }
0x28: {  	s2 =	sld [smem:$0x3FB0]  }
0x29: {  	s4 =	sld [smem:$0x3FB2]  }
0x2a: {  	p0 =	seq.s32 s5, $0x0;
	s5 =	sld [smem:$0x3FB3]  }
0x2b: {  	s6 =	sld [smem:$0x3FB4]  }
0x2c: {  	s7 =	sld [smem:$0x3FB5]  }
0x2d: {  	s3 =	simm.s32 $0x108;
	s8 =	sld [smem:$0x3FB6]  }
0x2e: {  	s3 =	simm.s32 @!p0 $0x1082;
	s9 =	sld [smem:$0x3FB7]  }
0x2f: {  	lr =	sadd.s32 s0, s3;
	s0 =	sld [smem:$0x3FAE]  }
0x30: {  	s3 =	sld [smem:$0x3FB1]  }
0x31: {  	[smem:$0x3FBA] =	sst s10  }
0x32: {  	s10 =	sld [smem:$0x3FB8];
	_ =	sdelay $0x3  }
0x33: {  	p0 =	seq.s32 s10, $0x1;
	s10 =	sld [smem:$0x3FBA];
	_ =	sdelay $0x3  }
0x34: {  	[smem:$0x3FBA] =	sst s10  }
0x35: {  	s10 =	sld [smem:$0x3FB9];
	_ =	sdelay $0x3  }
0x36: {  	p1 =	seq.s32 s10, $0x1;
	s10 =	sld [smem:$0x3FBA];
	_ =	sdelay $0x3  }
0x37: {  	[smem:$0x3FBA] =	sst s10  }
0x38: {  	s10 =	sld [smem:$0x3FBB]  }
0x39: {  	_ = 	snop;
	(pc) =	sbr.ind lr, $3  }
0x3a: {  	_ = 	snop  }
0x3b: {  	_ = 	snop  }
0x3c: {  	p2 =	seq.s32 s10, $0x1;
	s10 =	sld [smem:$0x3FBA]  }
0x3d: {  	_ =	shalt  }
0x3e: {  	_ =	shalt  }
0x3f: {  	_ =	shalt  }
0x40: {  	_ =	shalt  }
0x41: {  	_ =	shalt  }
0x42: {  	_ =	shalt  }
0x43: {  	_ =	shalt  }
0x44: {  	_ =	shalt  }
0x45: {  	_ =	shalt  }
0x46: {  	_ =	shalt  }
0x47: {  	_ =	shalt  }
0x48: {  	_ =	shalt  }
0x49: {  	_ =	shalt  }
0x4a: {  	_ =	shalt  }
0x4b: {  	_ =	shalt  }
0x4c: {  	_ =	shalt  }
0x4d: {  	_ =	shalt  }
0x4e: {  	_ =	shalt  }
0x4f: {  	_ =	shalt  }
0x50: {  	_ =	shalt  }
0x51: {  	_ =	shalt  }
0x52: {  	_ =	shalt  }
0x53: {  	_ =	shalt  }
0x54: {  	_ =	shalt  }
0x55: {  	_ =	shalt  }
0x56: {  	_ =	shalt  }
0x57: {  	_ =	shalt  }
0x58: {  	_ =	shalt  }
0x59: {  	_ =	shalt  }
0x5a: {  	_ =	shalt  }
0x5b: {  	_ =	shalt  }
0x5c: {  	_ =	shalt  }
0x5d: {  	_ =	shalt  }
0x5e: {  	_ =	shalt  }
0x5f: {  	_ =	shalt  }
0x60: {  	_ =	shalt  }
0x61: {  	_ =	shalt  }
0x62: {  	_ =	shalt  }
0x63: {  	_ =	shalt  }
0x64: {  	_ =	shalt  }
0x65: {  	_ =	shalt  }
0x66: {  	_ =	shalt  }
0x67: {  	_ =	shalt  }
0x68: {  	_ =	shalt  }
0x69: {  	_ =	shalt  }
0x6a: {  	_ =	shalt  }
0x6b: {  	_ =	shalt  }
0x6c: {  	_ =	shalt  }
0x6d: {  	_ =	shalt  }
0x6e: {  	_ =	shalt  }
0x6f: {  	_ =	shalt  }
0x70: {  	_ =	shalt  }
0x71: {  	_ =	shalt  }
0x72: {  	_ =	shalt  }
0x73: {  	_ =	shalt  }
0x74: {  	_ =	shalt  }
0x75: {  	_ =	shalt  }
0x76: {  	_ =	shalt  }
0x77: {  	_ =	shalt  }
0x78: {  	_ =	shalt  }
0x79: {  	_ =	shalt  }
0x7a: {  	_ =	shalt  }
0x7b: {  	_ =	shalt  }
0x7c: {  	_ =	shalt  }
0x7d: {  	_ =	shalt  }
0x7e: {  	_ =	shalt  }
0x7f: {  	_ =	shalt  }
0x80: {  	_ =	shalt  }
0x81: {  	_ =	shalt  }
0x82: {  	_ =	shalt  }
0x83: {  	_ =	shalt  }
0x84: {  	_ =	shalt  }
0x85: {  	_ =	shalt  }
0x86: {  	_ =	shalt  }
0x87: {  	_ =	shalt  }
.Lfunc_end0:
.L_simem_size_0:
called_computation_lowered:
.L_overlay_start_0:
0x88: {  	s2 =	sld [smem:$0x3FD9]  }
0x89: {  	s3 =	sld [smem:$0x3FFE];
	_ =	sdelay $0x1  }
0x8a: {  	s1 =	srdreg.scid  }
0x8b: {  	s0 =	sand.u32 $0x1, s1  }
0x8c: {  	s18 =	sshll.u32 s0, $0xA;
	s2 =	sadd.s32 s3, s2  }
0x8d: {  	s2 =	sadd.s32 s2, s18  }
0x8e: {  	[smem:$0x3FC6] =	sst s2  }
0x8f: {  	_ = 	snop  }
0x90: {  	s2 =	sld [smem:$0x3FC9]  }
0x91: {  	s19 =	sld [smem:$0x3FC8]  }
0x92: {  	s4 =	sld [smem:$0x3FD0];
	(tm) =	ssettm $0x1  }
0x93: {  	s5 =	sld [smem:$0x3FFB];
	_ =	sdelay $0x3  }
0x94: {  	_ =	strace s5  }
0x95: {  	s5 =	sld [smem:$0x3FFC];
	_ =	sdelay $0x3  }
0x96: {  	_ =	strace s5  }
0x97: {  	s5 =	sld [smem:$0x3FFD];
	_ =	sdelay $0x3  }
0x98: {  	_ =	strace s5  }
0x99: {  	_ =	strace $0x8FFFFFFF  }
0x9a: {  	s20 =	sld [smem:$0x3FDB];
	_ =	sdelay $0x1  }
0x9b: {  	s6 =	simm.s32 $_scs_section_size  }
0x9c: {  	s7 =	simm.s32 $_size__tile_overlayer_lowered;
	s8 =	simm.s32 $_tile_overlayer_lowered  }
0x9d: {  	s23 =	simm.s32 $0x1BFF;
	s22 =	sshll.u32 s8, $0x1;
	s5 =	sadd.s32 s6, s20  }
0x9e: {  	s9 =	simm.s32 $0x0;
	s21 =	sshll.u32 s7, $0x1;
	s7 =	sadd.s32 s22, s5  }
0x9f: {  	[timem:s9], [sflag:s23] =	dma.local [hbm:s7], s21  }
0xa0: {  	_ =	swait.ge [sflag:s23], s21  }
0xa1: {  	s6 =	ssub.s32 $0x0, s21;
	[sflag:s23] =	ssyncset.done $0x0  }
0xa2: {  	[sflag:s23] =	ssyncadd.s32 s6;
	_ =	sdelay $0x1  }
0xa3: {  	s24 =	simm.s32 $0x1B8B  }
0xa4: {  	_ =	swait.ge [sflag:s24], $0x1  }
0xa5: {  	[sflag:s24] =	ssyncset.done $0x0  }
0xa6: {  	s25 =	simm.s32 $0x1B8E;
	[sflag:s24] =	ssyncadd.s32 $0xFFFFFFFF  }
0xa7: {  	s26 =	simm.s32 $execute0_lowered;
	[smem:$0x3FD2] =	sst s25  }
0xa8: {  	s6 =	sshll.u32 s26, $0x1;
	_ =	strace $0x80000046;
	[dreg:$0x1] =	wrdreg $0xFFFFFFFF  }
0xa9: {  	s28 =	simm.s32 $_size_execute0_lowered;
	s5 =	sadd.s32 s5, s6;
	[dreg:$0x0] =	wrdreg $0x0  }
0xaa: {  	s6 =	sshll.u32 s28, $0x1;
	[dreg:$0x2] =	wrdreg s5  }
0xab: {  	[dreg:$0x3] =	wrdreg s6  }
0xac: {  	[dreg:$0x4] =	wrdreg $0xC0  }
0xad: {  	_ =	task [dreg:s9], $0x5FFFF  }
0xae: {  	[dreg:$0x1] =	wrdreg $0xFFFFFFFF  }
0xaf: {  	[dreg:$0x0] =	wrdreg $0x60  }
0xb0: {  	[dreg:$0x2] =	wrdreg s2  }
0xb1: {  	[dreg:$0x3] =	wrdreg s19  }
0xb2: {  	[dreg:$0x4] =	wrdreg s4  }
0xb3: {  	[dreg:$0x5] =	wrdreg $0x9  }
0xb4: {  	_ =	task.clear_ibuf [dreg:s9], $0x6FFFF;
	_ =	strace $0x90000046  }
0xb5: {  	s29 =	simm.s32 $0x9;
	_ =	strace $0x80000048  }
0xb6: {  	_ =	swait.ge [sflag:s29], $0x1  }
0xb7: {  	[sflag:s29] =	ssyncadd.s32 $0xFFFFFFFF  }
0xb8: {  	_ =	strace $0x90000048  }
0xb9: {  	_ =	sfence  }
0xba: {  	s30 =	sld [smem:$0x0];
	_ =	sdelay $0x2  }
0xbb: {  	s31 =	sshll.u32 s1, $0xD;
	s1 =	sshrl.u32 s1, $0x2  }
0xbc: {  	s3 =	sand.u32 $0x4000, s31;
	s1 =	sadd.s32 s1, s30  }
0xbd: {  	s0 =	sor.u32 s3, s0;
	s1 =	sshll.u32 s1, $0x11  }
0xbe: {  	s0 =	sor.u32 s1, s0  }
0xbf: {  	s0 =	sadd.s32 $0x8F2B, s0  }
0xc0: {  	[sflag:s0] =	ssyncadd.remote.s32 $0x1  }
0xc1: {  	_ =	sfence.sel $0xFFFF  }
0xc2: {  	[dreg:$0x0] =	wrdreg $0xFFFFFFFF;
	(pc) =	sbr.abs _section_cstart, $3  }
0xc3: {  	[dreg:$0x1] =	wrdreg $0xFFFFFFFF  }
0xc4: {  	_ =	task.clear_ibuf [dreg:s9], $0x2FFFF;
	_ =	strace $0x9FFFFFFF  }
0xc5: {  	(tm) =	ssettm $0x7FFFFFFF  }
tec
execute0_lowered:
.L_overlay_start_1:
0x0: {  	(tag) =	ssettag $0x1  }
0x1: {  	s0 =	srdreg.scid  }
0x2: {  	s3 =	stileid.u32;
	s0 =	sand.u32 $0x1, s0  }
0x3: {  	s1 =	rddreg [dreg:$0x0];
	s5 =	sshll.u32 s3, $0xA;
	s6 =	sshll.u32 s0, $0x9  }
0x4: {  	s2 =	rddreg [dreg:$0x1];
	s5 =	sor.u32 s6, s5  }
0x5: {  	s4 =	rddreg [dreg:$0x2];
	s3 =	simm.s32 $0x0;
	s6 =	sshrl.u32 s5, $0x3  }
0x6: {  	[smem:$0x7FF] =	sst s3;
	s5 =	sshll.u32 s5, $0x7;
	s2 =	sadd.s32 s2, s6  }
0x7: {  	_ =	strace $0x80000047;
	s8 =	sadd.s32 s4, s5;
	[dreg:$0x4] =	wrdreg s2  }
0x8: {  	s14 =	sadd.s32 $0x1000, s8;
	[dreg:$0x14] =	wrdreg s8  }
0x9: {  	s15 =	sadd.s32 $0x2000, s8;
	[dreg:$0x5] =	wrdreg s14  }
0xa: {  	s16 =	sadd.s32 $0x3000, s8;
	[dreg:$0x6] =	wrdreg s15  }
0xb: {  	s17 =	sadd.s32 $0x4000, s8;
	[dreg:$0x7] =	wrdreg s16  }
0xc: {  	s18 =	sadd.s32 $0x5000, s8;
	[dreg:$0x8] =	wrdreg s17  }
0xd: {  	s19 =	sadd.s32 $0x6000, s8;
	[dreg:$0x9] =	wrdreg s18  }
0xe: {  	s20 =	sadd.s32 $0x7000, s8;
	[dreg:$0xa] =	wrdreg s19  }
0xf: {  	s10 =	simm.s32 $0x200;
	s21 =	sadd.s32 $0x8000, s8;
	[dreg:$0xb] =	wrdreg s20  }
0x10: {  	s28 =	simm.s32 $0x8200;
	s22 =	sadd.s32 $0x9000, s8;
	[dreg:$0xc] =	wrdreg s21  }
0x11: {  	s7 =	sadd.s32 $0x300, s1;
	s23 =	sadd.s32 $0xA000, s8;
	[dreg:$0xd] =	wrdreg s22  }
0x12: {  	s0 =	ssub.s32 $0x2, s0;
	s25 =	sadd.s32 $0xB000, s8;
	[dreg:$0xe] =	wrdreg s23  }
0x13: {  	s24 =	sshrl.u32 s0, $0x1;
	s26 =	sadd.s32 $0xC000, s8;
	[dreg:$0xf] =	wrdreg s25  }
0x14: {  	s0 =	ssub.s32 s0, s24;
	s29 =	sadd.s32 $0xD000, s8;
	[dreg:$0x10] =	wrdreg s26  }
0x15: {  	s5 =	sadd.s32 $0x100, s1;
	s30 =	sadd.s32 $0xE000, s8;
	[dreg:$0x11] =	wrdreg s29  }
0x16: {  	v2 =	vlaneseq.u32;
	s6 =	sadd.s32 $0x200, s1;
	s31 =	sadd.s32 $0xF000, s8;
	[dreg:$0x12] =	wrdreg s30  }
0x17: {  	vm0 =	vmmov $0xffff;
	v1 =	vshrl.u32 v2, $0x3;
	[dreg:$0x13] =	wrdreg s31;
	s15 =	smax.u32 s0, $0x1;
	s26 =	simm.s32 $0x1  }
0x18: {  	v0 =	vand.u32 $0x7, v2;
	v2 =	vor.u32 $0x8, v2;
	v1 =	vmul.u32 $0x8, v1;
	s19 =	simm.s32 $0x2;
	s20 =	simm.s32 $0x3;
	s21 =	simm.s32 $0x4  }
.LBB2_1:
0x19: {  	s22 =	rddreg [dreg:$0x4];
	s13 =	simm.s32 $0x5  }
0x1a: {  	[tilespmem:s3], [sflag:$0x5] =	stream.linear.gather [hbm4b:s22+s3], $0x200, $0x38;
	[tilespmem:$0x10200] =	vst v63  }
0x1b: {  	_ =	swait.ge [sflag:s13], $0x200  }
0x1c: {  	[sflag:s13] =	ssyncset.done $0x0  }
0x1d: {  	[sflag:s13] =	ssyncadd.s32 $0xFFFFFE00  }
0x1e: {  	v3 =	vld [tilespmem:$0x0];
	_ =	sdelay $0x4  }
0x1f: {  	v4 =	vshll.u32 v3, $0x3  }
0x20: {  	v3 =	vand.u32 $0x7, v3;
	v4 =	vand.u32 $0xFFFFFFC0, v4  }
0x21: {  	v3 =	vor.u32 v3, v4  }
0x22: {  	v4 =	vperm.xlane v3, v0;
	_ =	sdelay $0x1  }
0x23: {  	v4 =	vadd.s32 v1, v4;
	_ =	sdelay $0x4  }
0x24: {  	[tilespmem:s10], [sflag:$0x1] =	stream.indirect_vreg.gather [hbm4b:s1+s3], $0x80, v4, vm0, $0xb8;
	[tilespmem:$0x10200] =	vst v63  }
0x25: {  	s0 =	simm.s32 $0xA00;
	v3 =	vperm.xlane v3, v2  }
0x26: {  	[tilespmem:s0], [sflag:$0x1] =	stream.indirect_vreg.gather [hbm4b:s5+s3], $0x80, v4, vm0, $0xb8;
	[tilespmem:$0x10200] =	vst v63  }
0x27: {  	s14 =	simm.s32 $0x1200;
	v3 =	vadd.s32 v1, v3  }
0x28: {  	[tilespmem:s14], [sflag:$0x1] =	stream.indirect_vreg.gather [hbm4b:s6+s3], $0x80, v4, vm0, $0xb8;
	[tilespmem:$0x10200] =	vst v63  }
0x29: {  	s16 =	simm.s32 $0x1A00  }
0x2a: {  	[tilespmem:s16], [sflag:$0x1] =	stream.indirect_vreg.gather [hbm4b:s7+s3], $0x80, v4, vm0, $0xb8;
	[tilespmem:$0x10200] =	vst v63  }
0x2b: {  	s17 =	simm.s32 $0x2200  }
0x2c: {  	[tilespmem:s17], [sflag:$0x1] =	stream.indirect_vreg.gather [hbm4b:s1+s3], $0x80, v3, vm0, $0xb8;
	[tilespmem:$0x10200] =	vst v63  }
0x2d: {  	s18 =	simm.s32 $0x2A00  }
0x2e: {  	[tilespmem:s18], [sflag:$0x1] =	stream.indirect_vreg.gather [hbm4b:s5+s3], $0x80, v3, vm0, $0xb8;
	[tilespmem:$0x10200] =	vst v63  }
0x2f: {  	s22 =	simm.s32 $0x3200  }
0x30: {  	[tilespmem:s22], [sflag:$0x1] =	stream.indirect_vreg.gather [hbm4b:s6+s3], $0x80, v3, vm0, $0xb8;
	[tilespmem:$0x10200] =	vst v63  }
0x31: {  	s24 =	simm.s32 $0x3A00  }
0x32: {  	[tilespmem:s24], [sflag:$0x1] =	stream.indirect_vreg.gather [hbm4b:s7+s3], $0x80, v3, vm0, $0xb8;
	[tilespmem:$0x10200] =	vst v63  }
0x33: {  	v3 =	vld [tilespmem:$0x10];
	_ =	sdelay $0x4  }
0x34: {  	v33 =	vshll.u32 v3, $0x3  }
0x35: {  	v3 =	vand.u32 $0x7, v3;
	v4 =	vand.u32 $0xFFFFFFC0, v33  }
0x36: {  	v3 =	vor.u32 v3, v4  }
0x37: {  	v4 =	vperm.xlane v3, v0;
	_ =	sdelay $0x1  }
0x38: {  	v4 =	vadd.s32 v1, v4;
	_ =	sdelay $0x3  }
0x39: {  	s25 =	simm.s32 $0x4200  }
0x3a: {  	[tilespmem:s25], [sflag:$0x1] =	stream.indirect_vreg.gather [hbm4b:s1+s3], $0x80, v4, vm0, $0xb8;
	[tilespmem:$0x10200] =	vst v63  }
0x3b: {  	s29 =	simm.s32 $0x4A00;
	v3 =	vperm.xlane v3, v2  }
0x3c: {  	[tilespmem:s29], [sflag:$0x1] =	stream.indirect_vreg.gather [hbm4b:s5+s3], $0x80, v4, vm0, $0xb8;
	[tilespmem:$0x10200] =	vst v63  }
0x3d: {  	s30 =	simm.s32 $0x5200;
	v3 =	vadd.s32 v1, v3  }
0x3e: {  	[tilespmem:s30], [sflag:$0x1] =	stream.indirect_vreg.gather [hbm4b:s6+s3], $0x80, v4, vm0, $0xb8;
	[tilespmem:$0x10200] =	vst v63  }
0x3f: {  	s31 =	simm.s32 $0x5A00  }
0x40: {  	[tilespmem:s31], [sflag:$0x1] =	stream.indirect_vreg.gather [hbm4b:s7+s3], $0x80, v4, vm0, $0xb8;
	[tilespmem:$0x10200] =	vst v63  }
0x41: {  	s2 =	simm.s32 $0x6200  }
0x42: {  	[tilespmem:s2], [sflag:$0x1] =	stream.indirect_vreg.gather [hbm4b:s1+s3], $0x80, v3, vm0, $0xb8;
	[tilespmem:$0x10200] =	vst v63  }
0x43: {  	s4 =	simm.s32 $0x6A00  }
0x44: {  	[tilespmem:s4], [sflag:$0x1] =	stream.indirect_vreg.gather [hbm4b:s5+s3], $0x80, v3, vm0, $0xb8;
	[tilespmem:$0x10200] =	vst v63  }
0x45: {  	s8 =	simm.s32 $0x7200  }
0x46: {  	[tilespmem:s8], [sflag:$0x1] =	stream.indirect_vreg.gather [hbm4b:s6+s3], $0x80, v3, vm0, $0xb8;
	[tilespmem:$0x10200] =	vst v63  }
0x47: {  	s9 =	simm.s32 $0x7A00  }
0x48: {  	[tilespmem:s9], [sflag:$0x1] =	stream.indirect_vreg.gather [hbm4b:s7+s3], $0x80, v3, vm0, $0xb8;
	[tilespmem:$0x10200] =	vst v63  }
0x49: {  	_ =	swait.ge [sflag:s26], $0x8000  }
0x4a: {  	[sflag:s26] =	ssyncset.done $0x0  }
0x4b: {  	[sflag:s26] =	ssyncadd.s32 $0xFFFF8000  }
0x4c: {  	v3 =	vld [tilespmem:$0x20];
	_ =	sdelay $0x4  }
0x4d: {  	v34 =	vshll.u32 v3, $0x3  }
0x4e: {  	v3 =	vand.u32 $0x7, v3;
	v4 =	vand.u32 $0xFFFFFFC0, v34  }
0x4f: {  	v3 =	vor.u32 v3, v4  }
0x50: {  	v4 =	vperm.xlane v3, v0;
	_ =	sdelay $0x1  }
0x51: {  	v4 =	vadd.s32 v1, v4;
	_ =	sdelay $0x4  }
0x52: {  	[tilespmem:s28], [sflag:$0x2] =	stream.indirect_vreg.gather [hbm4b:s1+s3], $0x80, v4, vm0, $0xb8;
	[tilespmem:$0x10200] =	vst v63  }
0x53: {  	s11 =	simm.s32 $0x8A00;
	v3 =	vperm.xlane v3, v2  }
0x54: {  	[tilespmem:s11], [sflag:$0x2] =	stream.indirect_vreg.gather [hbm4b:s5+s3], $0x80, v4, vm0, $0xb8;
	[tilespmem:$0x10200] =	vst v63  }
0x55: {  	s12 =	simm.s32 $0x9200;
	v3 =	vadd.s32 v1, v3  }
0x56: {  	[tilespmem:s12], [sflag:$0x2] =	stream.indirect_vreg.gather [hbm4b:s6+s3], $0x80, v4, vm0, $0xb8;
	[tilespmem:$0x10200] =	vst v63  }
0x57: {  	s13 =	simm.s32 $0x9A00  }
0x58: {  	[tilespmem:s13], [sflag:$0x2] =	stream.indirect_vreg.gather [hbm4b:s7+s3], $0x80, v4, vm0, $0xb8;
	[tilespmem:$0x10200] =	vst v63  }
0x59: {  	s22 =	simm.s32 $0xA200  }
0x5a: {  	[tilespmem:s22], [sflag:$0x2] =	stream.indirect_vreg.gather [hbm4b:s1+s3], $0x80, v3, vm0, $0xb8;
	[tilespmem:$0x10200] =	vst v63  }
0x5b: {  	s24 =	simm.s32 $0xAA00  }
0x5c: {  	[tilespmem:s24], [sflag:$0x2] =	stream.indirect_vreg.gather [hbm4b:s5+s3], $0x80, v3, vm0, $0xb8;
	[tilespmem:$0x10200] =	vst v63  }
0x5d: {  	s25 =	simm.s32 $0xB200  }
0x5e: {  	[tilespmem:s25], [sflag:$0x2] =	stream.indirect_vreg.gather [hbm4b:s6+s3], $0x80, v3, vm0, $0xb8;
	[tilespmem:$0x10200] =	vst v63  }
0x5f: {  	s29 =	simm.s32 $0xBA00  }
0x60: {  	[tilespmem:s29], [sflag:$0x2] =	stream.indirect_vreg.gather [hbm4b:s7+s3], $0x80, v3, vm0, $0xb8;
	[tilespmem:$0x10200] =	vst v63  }
0x61: {  	v3 =	vld [tilespmem:$0x30];
	_ =	sdelay $0x4  }
0x62: {  	v35 =	vshll.u32 v3, $0x3  }
0x63: {  	v3 =	vand.u32 $0x7, v3;
	v4 =	vand.u32 $0xFFFFFFC0, v35  }
0x64: {  	v3 =	vor.u32 v3, v4  }
0x65: {  	v4 =	vperm.xlane v3, v0;
	_ =	sdelay $0x1  }
0x66: {  	v4 =	vadd.s32 v1, v4;
	_ =	sdelay $0x3  }
0x67: {  	s30 =	simm.s32 $0xC200  }
0x68: {  	[tilespmem:s30], [sflag:$0x2] =	stream.indirect_vreg.gather [hbm4b:s1+s3], $0x80, v4, vm0, $0xb8;
	[tilespmem:$0x10200] =	vst v63  }
0x69: {  	s31 =	simm.s32 $0xCA00;
	v3 =	vperm.xlane v3, v2  }
0x6a: {  	[tilespmem:s31], [sflag:$0x2] =	stream.indirect_vreg.gather [hbm4b:s5+s3], $0x80, v4, vm0, $0xb8;
	[tilespmem:$0x10200] =	vst v63  }
0x6b: {  	s12 =	simm.s32 $0xD200;
	v3 =	vadd.s32 v1, v3  }
0x6c: {  	[tilespmem:s12], [sflag:$0x2] =	stream.indirect_vreg.gather [hbm4b:s6+s3], $0x80, v4, vm0, $0xb8;
	[tilespmem:$0x10200] =	vst v63  }
0x6d: {  	s22 =	simm.s32 $0xDA00  }
0x6e: {  	[tilespmem:s22], [sflag:$0x2] =	stream.indirect_vreg.gather [hbm4b:s7+s3], $0x80, v4, vm0, $0xb8;
	[tilespmem:$0x10200] =	vst v63  }
0x6f: {  	s24 =	simm.s32 $0xE200  }
0x70: {  	[tilespmem:s24], [sflag:$0x2] =	stream.indirect_vreg.gather [hbm4b:s1+s3], $0x80, v3, vm0, $0xb8;
	[tilespmem:$0x10200] =	vst v63  }
0x71: {  	s25 =	simm.s32 $0xEA00  }
0x72: {  	[tilespmem:s25], [sflag:$0x2] =	stream.indirect_vreg.gather [hbm4b:s5+s3], $0x80, v3, vm0, $0xb8;
	[tilespmem:$0x10200] =	vst v63  }
0x73: {  	s29 =	simm.s32 $0xF200  }
0x74: {  	[tilespmem:s29], [sflag:$0x2] =	stream.indirect_vreg.gather [hbm4b:s6+s3], $0x80, v3, vm0, $0xb8;
	[tilespmem:$0x10200] =	vst v63  }
0x75: {  	s30 =	simm.s32 $0xFA00  }
0x76: {  	[tilespmem:s30], [sflag:$0x2] =	stream.indirect_vreg.gather [hbm4b:s7+s3], $0x80, v3, vm0, $0xb8;
	[tilespmem:$0x10200] =	vst v63  }
0x77: {  	s31 =	rddreg [dreg:$0x14]  }
0x78: {  	[hbm4b:s31+s3] =	stream.linear.scatter [tilespmem:s10], [sflag:$0x3], $0x8000, $0x38;
	[tilespmem:$0x10200] =	vst v63  }
0x79: {  	_ =	swait.ge [sflag:s19], $0x8000  }
0x7a: {  	[sflag:s19] =	ssyncset.done $0x0  }
0x7b: {  	[sflag:s19] =	ssyncadd.s32 $0xFFFF8000  }
0x7c: {  	_ =	swait.ge [sflag:s20], $0x8000  }
0x7d: {  	[sflag:s20] =	ssyncset.done $0x0  }
0x7e: {  	[sflag:s20] =	ssyncadd.s32 $0xFFFF8000  }
0x7f: {  	v3 =	vld [tilespmem:$0x40];
	_ =	sdelay $0x4  }
0x80: {  	v36 =	vshll.u32 v3, $0x3  }
0x81: {  	v3 =	vand.u32 $0x7, v3;
	v4 =	vand.u32 $0xFFFFFFC0, v36  }
0x82: {  	v3 =	vor.u32 v3, v4  }
0x83: {  	v4 =	vperm.xlane v3, v0;
	_ =	sdelay $0x1  }
0x84: {  	v4 =	vadd.s32 v1, v4;
	_ =	sdelay $0x4  }
0x85: {  	[tilespmem:s10], [sflag:$0x1] =	stream.indirect_vreg.gather [hbm4b:s1+s3], $0x80, v4, vm0, $0xb8;
	[tilespmem:$0x10200] =	vst v63  }
0x86: {  	s24 =	simm.s32 $0xA00;
	v3 =	vperm.xlane v3, v2  }
0x87: {  	[tilespmem:s24], [sflag:$0x1] =	stream.indirect_vreg.gather [hbm4b:s5+s3], $0x80, v4, vm0, $0xb8;
	[tilespmem:$0x10200] =	vst v63  }
0x88: {  	s23 =	simm.s32 $0x1200;
	v3 =	vadd.s32 v1, v3  }
0x89: {  	[tilespmem:s23], [sflag:$0x1] =	stream.indirect_vreg.gather [hbm4b:s6+s3], $0x80, v4, vm0, $0xb8;
	[tilespmem:$0x10200] =	vst v63  }
0x8a: {  	s25 =	simm.s32 $0x1A00  }
0x8b: {  	[tilespmem:s25], [sflag:$0x1] =	stream.indirect_vreg.gather [hbm4b:s7+s3], $0x80, v4, vm0, $0xb8;
	[tilespmem:$0x10200] =	vst v63  }
0x8c: {  	s29 =	simm.s32 $0x2200  }
0x8d: {  	[tilespmem:s29], [sflag:$0x1] =	stream.indirect_vreg.gather [hbm4b:s1+s3], $0x80, v3, vm0, $0xb8;
	[tilespmem:$0x10200] =	vst v63  }
0x8e: {  	s30 =	simm.s32 $0x2A00  }
0x8f: {  	[tilespmem:s30], [sflag:$0x1] =	stream.indirect_vreg.gather [hbm4b:s5+s3], $0x80, v3, vm0, $0xb8;
	[tilespmem:$0x10200] =	vst v63  }
0x90: {  	s31 =	simm.s32 $0x3200  }
0x91: {  	[tilespmem:s31], [sflag:$0x1] =	stream.indirect_vreg.gather [hbm4b:s6+s3], $0x80, v3, vm0, $0xb8;
	[tilespmem:$0x10200] =	vst v63  }
0x92: {  	s18 =	simm.s32 $0x3A00  }
0x93: {  	[tilespmem:s18], [sflag:$0x1] =	stream.indirect_vreg.gather [hbm4b:s7+s3], $0x80, v3, vm0, $0xb8;
	[tilespmem:$0x10200] =	vst v63  }
0x94: {  	v3 =	vld [tilespmem:$0x50];
	_ =	sdelay $0x4  }
0x95: {  	v37 =	vshll.u32 v3, $0x3  }
0x96: {  	v3 =	vand.u32 $0x7, v3;
	v4 =	vand.u32 $0xFFFFFFC0, v37  }
0x97: {  	v3 =	vor.u32 v3, v4  }
0x98: {  	v4 =	vperm.xlane v3, v0;
	_ =	sdelay $0x1  }
0x99: {  	v4 =	vadd.s32 v1, v4;
	_ =	sdelay $0x3  }
0x9a: {  	s17 =	simm.s32 $0x4200  }
0x9b: {  	[tilespmem:s17], [sflag:$0x1] =	stream.indirect_vreg.gather [hbm4b:s1+s3], $0x80, v4, vm0, $0xb8;
	[tilespmem:$0x10200] =	vst v63  }
0x9c: {  	s23 =	simm.s32 $0x4A00;
	v3 =	vperm.xlane v3, v2  }
0x9d: {  	[tilespmem:s23], [sflag:$0x1] =	stream.indirect_vreg.gather [hbm4b:s5+s3], $0x80, v4, vm0, $0xb8;
	[tilespmem:$0x10200] =	vst v63  }
0x9e: {  	s16 =	simm.s32 $0x5200;
	v3 =	vadd.s32 v1, v3  }
0x9f: {  	[tilespmem:s16], [sflag:$0x1] =	stream.indirect_vreg.gather [hbm4b:s6+s3], $0x80, v4, vm0, $0xb8;
	[tilespmem:$0x10200] =	vst v63  }
0xa0: {  	s14 =	simm.s32 $0x5A00  }
0xa1: {  	[tilespmem:s14], [sflag:$0x1] =	stream.indirect_vreg.gather [hbm4b:s7+s3], $0x80, v4, vm0, $0xb8;
	[tilespmem:$0x10200] =	vst v63  }
0xa2: {  	s16 =	simm.s32 $0x6200  }
0xa3: {  	[tilespmem:s16], [sflag:$0x1] =	stream.indirect_vreg.gather [hbm4b:s1+s3], $0x80, v3, vm0, $0xb8;
	[tilespmem:$0x10200] =	vst v63  }
0xa4: {  	s17 =	simm.s32 $0x6A00  }
0xa5: {  	[tilespmem:s17], [sflag:$0x1] =	stream.indirect_vreg.gather [hbm4b:s5+s3], $0x80, v3, vm0, $0xb8;
	[tilespmem:$0x10200] =	vst v63  }
0xa6: {  	s18 =	simm.s32 $0x7200  }
0xa7: {  	[tilespmem:s18], [sflag:$0x1] =	stream.indirect_vreg.gather [hbm4b:s6+s3], $0x80, v3, vm0, $0xb8;
	[tilespmem:$0x10200] =	vst v63  }
0xa8: {  	s14 =	simm.s32 $0x7A00  }
0xa9: {  	[tilespmem:s14], [sflag:$0x1] =	stream.indirect_vreg.gather [hbm4b:s7+s3], $0x80, v3, vm0, $0xb8;
	[tilespmem:$0x10200] =	vst v63  }
0xaa: {  	s0 =	rddreg [dreg:$0x5]  }
0xab: {  	[hbm4b:s0+s3] =	stream.linear.scatter [tilespmem:s28], [sflag:$0x4], $0x8000, $0x38;
	[tilespmem:$0x10200] =	vst v63  }
0xac: {  	_ =	swait.ge [sflag:s26], $0x8000  }
0xad: {  	[sflag:s26] =	ssyncset.done $0x0  }
0xae: {  	[sflag:s26] =	ssyncadd.s32 $0xFFFF8000  }
0xaf: {  	_ =	swait.ge [sflag:s21], $0x8000  }
0xb0: {  	[sflag:s21] =	ssyncset.done $0x0  }
0xb1: {  	[sflag:s21] =	ssyncadd.s32 $0xFFFF8000  }
0xb2: {  	v3 =	vld [tilespmem:$0x60];
	_ =	sdelay $0x4  }
0xb3: {  	v38 =	vshll.u32 v3, $0x3  }
0xb4: {  	v3 =	vand.u32 $0x7, v3;
	v4 =	vand.u32 $0xFFFFFFC0, v38  }
0xb5: {  	v3 =	vor.u32 v3, v4  }
0xb6: {  	v4 =	vperm.xlane v3, v0;
	_ =	sdelay $0x1  }
0xb7: {  	v4 =	vadd.s32 v1, v4;
	_ =	sdelay $0x4  }
0xb8: {  	[tilespmem:s28], [sflag:$0x2] =	stream.indirect_vreg.gather [hbm4b:s1+s3], $0x80, v4, vm0, $0xb8;
	[tilespmem:$0x10200] =	vst v63  }
0xb9: {  	s8 =	simm.s32 $0x8A00;
	v3 =	vperm.xlane v3, v2  }
0xba: {  	[tilespmem:s8], [sflag:$0x2] =	stream.indirect_vreg.gather [hbm4b:s5+s3], $0x80, v4, vm0, $0xb8;
	[tilespmem:$0x10200] =	vst v63  }
0xbb: {  	s2 =	simm.s32 $0x9200;
	v3 =	vadd.s32 v1, v3  }
0xbc: {  	[tilespmem:s2], [sflag:$0x2] =	stream.indirect_vreg.gather [hbm4b:s6+s3], $0x80, v4, vm0, $0xb8;
	[tilespmem:$0x10200] =	vst v63  }
0xbd: {  	s4 =	simm.s32 $0x9A00  }
0xbe: {  	[tilespmem:s4], [sflag:$0x2] =	stream.indirect_vreg.gather [hbm4b:s7+s3], $0x80, v4, vm0, $0xb8;
	[tilespmem:$0x10200] =	vst v63  }
0xbf: {  	s0 =	simm.s32 $0xA200  }
0xc0: {  	[tilespmem:s0], [sflag:$0x2] =	stream.indirect_vreg.gather [hbm4b:s1+s3], $0x80, v3, vm0, $0xb8;
	[tilespmem:$0x10200] =	vst v63  }
0xc1: {  	s2 =	simm.s32 $0xAA00  }
0xc2: {  	[tilespmem:s2], [sflag:$0x2] =	stream.indirect_vreg.gather [hbm4b:s5+s3], $0x80, v3, vm0, $0xb8;
	[tilespmem:$0x10200] =	vst v63  }
0xc3: {  	s4 =	simm.s32 $0xB200  }
0xc4: {  	[tilespmem:s4], [sflag:$0x2] =	stream.indirect_vreg.gather [hbm4b:s6+s3], $0x80, v3, vm0, $0xb8;
	[tilespmem:$0x10200] =	vst v63  }
0xc5: {  	s9 =	simm.s32 $0xBA00  }
0xc6: {  	[tilespmem:s9], [sflag:$0x2] =	stream.indirect_vreg.gather [hbm4b:s7+s3], $0x80, v3, vm0, $0xb8;
	[tilespmem:$0x10200] =	vst v63  }
0xc7: {  	v3 =	vld [tilespmem:$0x70];
	_ =	sdelay $0x4  }
0xc8: {  	v39 =	vshll.u32 v3, $0x3  }
0xc9: {  	v3 =	vand.u32 $0x7, v3;
	v4 =	vand.u32 $0xFFFFFFC0, v39  }
0xca: {  	v3 =	vor.u32 v3, v4  }
0xcb: {  	v4 =	vperm.xlane v3, v0;
	_ =	sdelay $0x1  }
0xcc: {  	v4 =	vadd.s32 v1, v4;
	_ =	sdelay $0x3  }
0xcd: {  	s11 =	simm.s32 $0xC200  }
0xce: {  	[tilespmem:s11], [sflag:$0x2] =	stream.indirect_vreg.gather [hbm4b:s1+s3], $0x80, v4, vm0, $0xb8;
	[tilespmem:$0x10200] =	vst v63  }
0xcf: {  	s13 =	simm.s32 $0xCA00;
	v3 =	vperm.xlane v3, v2  }
0xd0: {  	[tilespmem:s13], [sflag:$0x2] =	stream.indirect_vreg.gather [hbm4b:s5+s3], $0x80, v4, vm0, $0xb8;
	[tilespmem:$0x10200] =	vst v63  }
0xd1: {  	s8 =	simm.s32 $0xD200;
	v3 =	vadd.s32 v1, v3  }
0xd2: {  	[tilespmem:s8], [sflag:$0x2] =	stream.indirect_vreg.gather [hbm4b:s6+s3], $0x80, v4, vm0, $0xb8;
	[tilespmem:$0x10200] =	vst v63  }
0xd3: {  	s9 =	simm.s32 $0xDA00  }
0xd4: {  	[tilespmem:s9], [sflag:$0x2] =	stream.indirect_vreg.gather [hbm4b:s7+s3], $0x80, v4, vm0, $0xb8;
	[tilespmem:$0x10200] =	vst v63  }
0xd5: {  	s11 =	simm.s32 $0xE200  }
0xd6: {  	[tilespmem:s11], [sflag:$0x2] =	stream.indirect_vreg.gather [hbm4b:s1+s3], $0x80, v3, vm0, $0xb8;
	[tilespmem:$0x10200] =	vst v63  }
0xd7: {  	s13 =	simm.s32 $0xEA00  }
0xd8: {  	[tilespmem:s13], [sflag:$0x2] =	stream.indirect_vreg.gather [hbm4b:s5+s3], $0x80, v3, vm0, $0xb8;
	[tilespmem:$0x10200] =	vst v63  }
0xd9: {  	s12 =	simm.s32 $0xF200  }
0xda: {  	[tilespmem:s12], [sflag:$0x2] =	stream.indirect_vreg.gather [hbm4b:s6+s3], $0x80, v3, vm0, $0xb8;
	[tilespmem:$0x10200] =	vst v63  }
0xdb: {  	s12 =	simm.s32 $0xFA00  }
0xdc: {  	[tilespmem:s12], [sflag:$0x2] =	stream.indirect_vreg.gather [hbm4b:s7+s3], $0x80, v3, vm0, $0xb8;
	[tilespmem:$0x10200] =	vst v63  }
0xdd: {  	s22 =	rddreg [dreg:$0x6]  }
0xde: {  	[hbm4b:s22+s3] =	stream.linear.scatter [tilespmem:s10], [sflag:$0x3], $0x8000, $0x38;
	[tilespmem:$0x10200] =	vst v63  }
0xdf: {  	_ =	swait.ge [sflag:s19], $0x8000  }
0xe0: {  	[sflag:s19] =	ssyncset.done $0x0  }
0xe1: {  	[sflag:s19] =	ssyncadd.s32 $0xFFFF8000  }
0xe2: {  	_ =	swait.ge [sflag:s20], $0x8000  }
0xe3: {  	[sflag:s20] =	ssyncset.done $0x0  }
0xe4: {  	[sflag:s20] =	ssyncadd.s32 $0xFFFF8000  }
0xe5: {  	v3 =	vld [tilespmem:$0x80];
	_ =	sdelay $0x4  }
0xe6: {  	v40 =	vshll.u32 v3, $0x3  }
0xe7: {  	v3 =	vand.u32 $0x7, v3;
	v4 =	vand.u32 $0xFFFFFFC0, v40  }
0xe8: {  	v3 =	vor.u32 v3, v4  }
0xe9: {  	v4 =	vperm.xlane v3, v0;
	_ =	sdelay $0x1  }
0xea: {  	v4 =	vadd.s32 v1, v4;
	_ =	sdelay $0x4  }
0xeb: {  	[tilespmem:s10], [sflag:$0x1] =	stream.indirect_vreg.gather [hbm4b:s1+s3], $0x80, v4, vm0, $0xb8;
	[tilespmem:$0x10200] =	vst v63  }
0xec: {  	v3 =	vperm.xlane v3, v2  }
0xed: {  	[tilespmem:s24], [sflag:$0x1] =	stream.indirect_vreg.gather [hbm4b:s5+s3], $0x80, v4, vm0, $0xb8;
	[tilespmem:$0x10200] =	vst v63  }
0xee: {  	s22 =	simm.s32 $0x1200;
	v3 =	vadd.s32 v1, v3  }
0xef: {  	[tilespmem:s22], [sflag:$0x1] =	stream.indirect_vreg.gather [hbm4b:s6+s3], $0x80, v4, vm0, $0xb8;
	[tilespmem:$0x10200] =	vst v63  }
0xf0: {  	_ = 	snop  }
0xf1: {  	[tilespmem:s25], [sflag:$0x1] =	stream.indirect_vreg.gather [hbm4b:s7+s3], $0x80, v4, vm0, $0xb8;
	[tilespmem:$0x10200] =	vst v63  }
0xf2: {  	_ = 	snop  }
0xf3: {  	[tilespmem:s29], [sflag:$0x1] =	stream.indirect_vreg.gather [hbm4b:s1+s3], $0x80, v3, vm0, $0xb8;
	[tilespmem:$0x10200] =	vst v63  }
0xf4: {  	_ = 	snop  }
0xf5: {  	[tilespmem:s30], [sflag:$0x1] =	stream.indirect_vreg.gather [hbm4b:s5+s3], $0x80, v3, vm0, $0xb8;
	[tilespmem:$0x10200] =	vst v63  }
0xf6: {  	_ = 	snop  }
0xf7: {  	[tilespmem:s31], [sflag:$0x1] =	stream.indirect_vreg.gather [hbm4b:s6+s3], $0x80, v3, vm0, $0xb8;
	[tilespmem:$0x10200] =	vst v63  }
0xf8: {  	s25 =	simm.s32 $0x3A00  }
0xf9: {  	[tilespmem:s25], [sflag:$0x1] =	stream.indirect_vreg.gather [hbm4b:s7+s3], $0x80, v3, vm0, $0xb8;
	[tilespmem:$0x10200] =	vst v63  }
0xfa: {  	v3 =	vld [tilespmem:$0x90];
	_ =	sdelay $0x4  }
0xfb: {  	v41 =	vshll.u32 v3, $0x3  }
0xfc: {  	v3 =	vand.u32 $0x7, v3;
	v4 =	vand.u32 $0xFFFFFFC0, v41  }
0xfd: {  	v3 =	vor.u32 v3, v4  }
0xfe: {  	v4 =	vperm.xlane v3, v0;
	_ =	sdelay $0x1  }
0xff: {  	v4 =	vadd.s32 v1, v4;
	_ =	sdelay $0x3  }
0x100: {  	s25 =	simm.s32 $0x4200  }
0x101: {  	[tilespmem:s25], [sflag:$0x1] =	stream.indirect_vreg.gather [hbm4b:s1+s3], $0x80, v4, vm0, $0xb8;
	[tilespmem:$0x10200] =	vst v63  }
0x102: {  	v3 =	vperm.xlane v3, v2  }
0x103: {  	[tilespmem:s23], [sflag:$0x1] =	stream.indirect_vreg.gather [hbm4b:s5+s3], $0x80, v4, vm0, $0xb8;
	[tilespmem:$0x10200] =	vst v63  }
0x104: {  	v3 =	vadd.s32 v1, v3;
	s25 =	simm.s32 $0x5200  }
0x105: {  	[tilespmem:s25], [sflag:$0x1] =	stream.indirect_vreg.gather [hbm4b:s6+s3], $0x80, v4, vm0, $0xb8;
	[tilespmem:$0x10200] =	vst v63  }
0x106: {  	s25 =	simm.s32 $0x5A00  }
0x107: {  	[tilespmem:s25], [sflag:$0x1] =	stream.indirect_vreg.gather [hbm4b:s7+s3], $0x80, v4, vm0, $0xb8;
	[tilespmem:$0x10200] =	vst v63  }
0x108: {  	_ = 	snop  }
0x109: {  	[tilespmem:s16], [sflag:$0x1] =	stream.indirect_vreg.gather [hbm4b:s1+s3], $0x80, v3, vm0, $0xb8;
	[tilespmem:$0x10200] =	vst v63  }
0x10a: {  	_ = 	snop  }
0x10b: {  	[tilespmem:s17], [sflag:$0x1] =	stream.indirect_vreg.gather [hbm4b:s5+s3], $0x80, v3, vm0, $0xb8;
	[tilespmem:$0x10200] =	vst v63  }
0x10c: {  	_ = 	snop  }
0x10d: {  	[tilespmem:s18], [sflag:$0x1] =	stream.indirect_vreg.gather [hbm4b:s6+s3], $0x80, v3, vm0, $0xb8;
	[tilespmem:$0x10200] =	vst v63  }
0x10e: {  	_ = 	snop  }
0x10f: {  	[tilespmem:s14], [sflag:$0x1] =	stream.indirect_vreg.gather [hbm4b:s7+s3], $0x80, v3, vm0, $0xb8;
	[tilespmem:$0x10200] =	vst v63  }
0x110: {  	s22 =	rddreg [dreg:$0x7]  }
0x111: {  	[hbm4b:s22+s3] =	stream.linear.scatter [tilespmem:s28], [sflag:$0x4], $0x8000, $0x38;
	[tilespmem:$0x10200] =	vst v63  }
0x112: {  	_ =	swait.ge [sflag:s26], $0x8000  }
0x113: {  	[sflag:s26] =	ssyncset.done $0x0  }
0x114: {  	[sflag:s26] =	ssyncadd.s32 $0xFFFF8000  }
0x115: {  	_ =	swait.ge [sflag:s21], $0x8000  }
0x116: {  	[sflag:s21] =	ssyncset.done $0x0  }
0x117: {  	[sflag:s21] =	ssyncadd.s32 $0xFFFF8000  }
0x118: {  	v3 =	vld [tilespmem:$0xA0];
	_ =	sdelay $0x4  }
0x119: {  	v42 =	vshll.u32 v3, $0x3  }
0x11a: {  	v3 =	vand.u32 $0x7, v3;
	v4 =	vand.u32 $0xFFFFFFC0, v42  }
0x11b: {  	v3 =	vor.u32 v3, v4  }
0x11c: {  	v4 =	vperm.xlane v3, v0;
	_ =	sdelay $0x1  }
0x11d: {  	v4 =	vadd.s32 v1, v4;
	_ =	sdelay $0x4  }
0x11e: {  	[tilespmem:s28], [sflag:$0x2] =	stream.indirect_vreg.gather [hbm4b:s1+s3], $0x80, v4, vm0, $0xb8;
	[tilespmem:$0x10200] =	vst v63  }
0x11f: {  	s22 =	simm.s32 $0x8A00;
	v3 =	vperm.xlane v3, v2  }
0x120: {  	[tilespmem:s22], [sflag:$0x2] =	stream.indirect_vreg.gather [hbm4b:s5+s3], $0x80, v4, vm0, $0xb8;
	[tilespmem:$0x10200] =	vst v63  }
0x121: {  	v3 =	vadd.s32 v1, v3;
	s22 =	simm.s32 $0x9200  }
0x122: {  	[tilespmem:s22], [sflag:$0x2] =	stream.indirect_vreg.gather [hbm4b:s6+s3], $0x80, v4, vm0, $0xb8;
	[tilespmem:$0x10200] =	vst v63  }
0x123: {  	s22 =	simm.s32 $0x9A00  }
0x124: {  	[tilespmem:s22], [sflag:$0x2] =	stream.indirect_vreg.gather [hbm4b:s7+s3], $0x80, v4, vm0, $0xb8;
	[tilespmem:$0x10200] =	vst v63  }
0x125: {  	_ = 	snop  }
0x126: {  	[tilespmem:s0], [sflag:$0x2] =	stream.indirect_vreg.gather [hbm4b:s1+s3], $0x80, v3, vm0, $0xb8;
	[tilespmem:$0x10200] =	vst v63  }
0x127: {  	_ = 	snop  }
0x128: {  	[tilespmem:s2], [sflag:$0x2] =	stream.indirect_vreg.gather [hbm4b:s5+s3], $0x80, v3, vm0, $0xb8;
	[tilespmem:$0x10200] =	vst v63  }
0x129: {  	_ = 	snop  }
0x12a: {  	[tilespmem:s4], [sflag:$0x2] =	stream.indirect_vreg.gather [hbm4b:s6+s3], $0x80, v3, vm0, $0xb8;
	[tilespmem:$0x10200] =	vst v63  }
0x12b: {  	s22 =	simm.s32 $0xBA00  }
0x12c: {  	[tilespmem:s22], [sflag:$0x2] =	stream.indirect_vreg.gather [hbm4b:s7+s3], $0x80, v3, vm0, $0xb8;
	[tilespmem:$0x10200] =	vst v63  }
0x12d: {  	v3 =	vld [tilespmem:$0xB0];
	_ =	sdelay $0x4  }
0x12e: {  	v43 =	vshll.u32 v3, $0x3  }
0x12f: {  	v3 =	vand.u32 $0x7, v3;
	v4 =	vand.u32 $0xFFFFFFC0, v43  }
0x130: {  	v3 =	vor.u32 v3, v4  }
0x131: {  	v4 =	vperm.xlane v3, v0;
	_ =	sdelay $0x1  }
0x132: {  	v4 =	vadd.s32 v1, v4;
	_ =	sdelay $0x3  }
0x133: {  	s22 =	simm.s32 $0xC200  }
0x134: {  	[tilespmem:s22], [sflag:$0x2] =	stream.indirect_vreg.gather [hbm4b:s1+s3], $0x80, v4, vm0, $0xb8;
	[tilespmem:$0x10200] =	vst v63  }
0x135: {  	v3 =	vperm.xlane v3, v2;
	s22 =	simm.s32 $0xCA00  }
0x136: {  	[tilespmem:s22], [sflag:$0x2] =	stream.indirect_vreg.gather [hbm4b:s5+s3], $0x80, v4, vm0, $0xb8;
	[tilespmem:$0x10200] =	vst v63  }
0x137: {  	v3 =	vadd.s32 v1, v3  }
0x138: {  	[tilespmem:s8], [sflag:$0x2] =	stream.indirect_vreg.gather [hbm4b:s6+s3], $0x80, v4, vm0, $0xb8;
	[tilespmem:$0x10200] =	vst v63  }
0x139: {  	_ = 	snop  }
0x13a: {  	[tilespmem:s9], [sflag:$0x2] =	stream.indirect_vreg.gather [hbm4b:s7+s3], $0x80, v4, vm0, $0xb8;
	[tilespmem:$0x10200] =	vst v63  }
0x13b: {  	_ = 	snop  }
0x13c: {  	[tilespmem:s11], [sflag:$0x2] =	stream.indirect_vreg.gather [hbm4b:s1+s3], $0x80, v3, vm0, $0xb8;
	[tilespmem:$0x10200] =	vst v63  }
0x13d: {  	_ = 	snop  }
0x13e: {  	[tilespmem:s13], [sflag:$0x2] =	stream.indirect_vreg.gather [hbm4b:s5+s3], $0x80, v3, vm0, $0xb8;
	[tilespmem:$0x10200] =	vst v63  }
0x13f: {  	s22 =	simm.s32 $0xF200  }
0x140: {  	[tilespmem:s22], [sflag:$0x2] =	stream.indirect_vreg.gather [hbm4b:s6+s3], $0x80, v3, vm0, $0xb8;
	[tilespmem:$0x10200] =	vst v63  }
0x141: {  	s12 =	simm.s32 $0xFA00  }
0x142: {  	[tilespmem:s12], [sflag:$0x2] =	stream.indirect_vreg.gather [hbm4b:s7+s3], $0x80, v3, vm0, $0xb8;
	[tilespmem:$0x10200] =	vst v63  }
0x143: {  	s22 =	rddreg [dreg:$0x8]  }
0x144: {  	[hbm4b:s22+s3] =	stream.linear.scatter [tilespmem:s10], [sflag:$0x3], $0x8000, $0x38;
	[tilespmem:$0x10200] =	vst v63  }
0x145: {  	_ =	swait.ge [sflag:s19], $0x8000  }
0x146: {  	[sflag:s19] =	ssyncset.done $0x0  }
0x147: {  	[sflag:s19] =	ssyncadd.s32 $0xFFFF8000  }
0x148: {  	_ =	swait.ge [sflag:s20], $0x8000  }
0x149: {  	[sflag:s20] =	ssyncset.done $0x0  }
0x14a: {  	[sflag:s20] =	ssyncadd.s32 $0xFFFF8000  }
0x14b: {  	v3 =	vld [tilespmem:$0xC0];
	_ =	sdelay $0x4  }
0x14c: {  	v44 =	vshll.u32 v3, $0x3  }
0x14d: {  	v3 =	vand.u32 $0x7, v3;
	v4 =	vand.u32 $0xFFFFFFC0, v44  }
0x14e: {  	v3 =	vor.u32 v3, v4  }
0x14f: {  	v4 =	vperm.xlane v3, v0;
	_ =	sdelay $0x1  }
0x150: {  	v4 =	vadd.s32 v1, v4;
	_ =	sdelay $0x4  }
0x151: {  	[tilespmem:s10], [sflag:$0x1] =	stream.indirect_vreg.gather [hbm4b:s1+s3], $0x80, v4, vm0, $0xb8;
	[tilespmem:$0x10200] =	vst v63  }
0x152: {  	s24 =	simm.s32 $0xA00;
	v3 =	vperm.xlane v3, v2  }
0x153: {  	[tilespmem:s24], [sflag:$0x1] =	stream.indirect_vreg.gather [hbm4b:s5+s3], $0x80, v4, vm0, $0xb8;
	[tilespmem:$0x10200] =	vst v63  }
0x154: {  	s22 =	simm.s32 $0x1200;
	v3 =	vadd.s32 v1, v3  }
0x155: {  	[tilespmem:s22], [sflag:$0x1] =	stream.indirect_vreg.gather [hbm4b:s6+s3], $0x80, v4, vm0, $0xb8;
	[tilespmem:$0x10200] =	vst v63  }
0x156: {  	s22 =	simm.s32 $0x1A00  }
0x157: {  	[tilespmem:s22], [sflag:$0x1] =	stream.indirect_vreg.gather [hbm4b:s7+s3], $0x80, v4, vm0, $0xb8;
	[tilespmem:$0x10200] =	vst v63  }
0x158: {  	s29 =	simm.s32 $0x2200  }
0x159: {  	[tilespmem:s29], [sflag:$0x1] =	stream.indirect_vreg.gather [hbm4b:s1+s3], $0x80, v3, vm0, $0xb8;
	[tilespmem:$0x10200] =	vst v63  }
0x15a: {  	s30 =	simm.s32 $0x2A00  }
0x15b: {  	[tilespmem:s30], [sflag:$0x1] =	stream.indirect_vreg.gather [hbm4b:s5+s3], $0x80, v3, vm0, $0xb8;
	[tilespmem:$0x10200] =	vst v63  }
0x15c: {  	s31 =	simm.s32 $0x3200  }
0x15d: {  	[tilespmem:s31], [sflag:$0x1] =	stream.indirect_vreg.gather [hbm4b:s6+s3], $0x80, v3, vm0, $0xb8;
	[tilespmem:$0x10200] =	vst v63  }
0x15e: {  	s29 =	simm.s32 $0x3A00  }
0x15f: {  	[tilespmem:s29], [sflag:$0x1] =	stream.indirect_vreg.gather [hbm4b:s7+s3], $0x80, v3, vm0, $0xb8;
	[tilespmem:$0x10200] =	vst v63  }
0x160: {  	v3 =	vld [tilespmem:$0xD0];
	_ =	sdelay $0x4  }
0x161: {  	v45 =	vshll.u32 v3, $0x3  }
0x162: {  	v3 =	vand.u32 $0x7, v3;
	v4 =	vand.u32 $0xFFFFFFC0, v45  }
0x163: {  	v3 =	vor.u32 v3, v4  }
0x164: {  	v4 =	vperm.xlane v3, v0;
	_ =	sdelay $0x1  }
0x165: {  	v4 =	vadd.s32 v1, v4;
	_ =	sdelay $0x3  }
0x166: {  	s29 =	simm.s32 $0x4200  }
0x167: {  	[tilespmem:s29], [sflag:$0x1] =	stream.indirect_vreg.gather [hbm4b:s1+s3], $0x80, v4, vm0, $0xb8;
	[tilespmem:$0x10200] =	vst v63  }
0x168: {  	s23 =	simm.s32 $0x4A00;
	v3 =	vperm.xlane v3, v2  }
0x169: {  	[tilespmem:s23], [sflag:$0x1] =	stream.indirect_vreg.gather [hbm4b:s5+s3], $0x80, v4, vm0, $0xb8;
	[tilespmem:$0x10200] =	vst v63  }
0x16a: {  	v3 =	vadd.s32 v1, v3;
	s29 =	simm.s32 $0x5200  }
0x16b: {  	[tilespmem:s29], [sflag:$0x1] =	stream.indirect_vreg.gather [hbm4b:s6+s3], $0x80, v4, vm0, $0xb8;
	[tilespmem:$0x10200] =	vst v63  }
0x16c: {  	s29 =	simm.s32 $0x5A00  }
0x16d: {  	[tilespmem:s29], [sflag:$0x1] =	stream.indirect_vreg.gather [hbm4b:s7+s3], $0x80, v4, vm0, $0xb8;
	[tilespmem:$0x10200] =	vst v63  }
0x16e: {  	s16 =	simm.s32 $0x6200  }
0x16f: {  	[tilespmem:s16], [sflag:$0x1] =	stream.indirect_vreg.gather [hbm4b:s1+s3], $0x80, v3, vm0, $0xb8;
	[tilespmem:$0x10200] =	vst v63  }
0x170: {  	s17 =	simm.s32 $0x6A00  }
0x171: {  	[tilespmem:s17], [sflag:$0x1] =	stream.indirect_vreg.gather [hbm4b:s5+s3], $0x80, v3, vm0, $0xb8;
	[tilespmem:$0x10200] =	vst v63  }
0x172: {  	s25 =	simm.s32 $0x7200  }
0x173: {  	[tilespmem:s25], [sflag:$0x1] =	stream.indirect_vreg.gather [hbm4b:s6+s3], $0x80, v3, vm0, $0xb8;
	[tilespmem:$0x10200] =	vst v63  }
0x174: {  	s18 =	simm.s32 $0x7A00  }
0x175: {  	[tilespmem:s18], [sflag:$0x1] =	stream.indirect_vreg.gather [hbm4b:s7+s3], $0x80, v3, vm0, $0xb8;
	[tilespmem:$0x10200] =	vst v63  }
0x176: {  	s25 =	rddreg [dreg:$0x9]  }
0x177: {  	[hbm4b:s25+s3] =	stream.linear.scatter [tilespmem:s28], [sflag:$0x4], $0x8000, $0x38;
	[tilespmem:$0x10200] =	vst v63  }
0x178: {  	_ =	swait.ge [sflag:s26], $0x8000  }
0x179: {  	[sflag:s26] =	ssyncset.done $0x0  }
0x17a: {  	[sflag:s26] =	ssyncadd.s32 $0xFFFF8000  }
0x17b: {  	_ =	swait.ge [sflag:s21], $0x8000  }
0x17c: {  	[sflag:s21] =	ssyncset.done $0x0  }
0x17d: {  	[sflag:s21] =	ssyncadd.s32 $0xFFFF8000  }
0x17e: {  	v3 =	vld [tilespmem:$0xE0];
	_ =	sdelay $0x4  }
0x17f: {  	v46 =	vshll.u32 v3, $0x3  }
0x180: {  	v3 =	vand.u32 $0x7, v3;
	v4 =	vand.u32 $0xFFFFFFC0, v46  }
0x181: {  	v3 =	vor.u32 v3, v4  }
0x182: {  	v4 =	vperm.xlane v3, v0;
	_ =	sdelay $0x1  }
0x183: {  	v4 =	vadd.s32 v1, v4;
	_ =	sdelay $0x4  }
0x184: {  	[tilespmem:s28], [sflag:$0x2] =	stream.indirect_vreg.gather [hbm4b:s1+s3], $0x80, v4, vm0, $0xb8;
	[tilespmem:$0x10200] =	vst v63  }
0x185: {  	s25 =	simm.s32 $0x8A00;
	v3 =	vperm.xlane v3, v2  }
0x186: {  	[tilespmem:s25], [sflag:$0x2] =	stream.indirect_vreg.gather [hbm4b:s5+s3], $0x80, v4, vm0, $0xb8;
	[tilespmem:$0x10200] =	vst v63  }
0x187: {  	v3 =	vadd.s32 v1, v3;
	s25 =	simm.s32 $0x9200  }
0x188: {  	[tilespmem:s25], [sflag:$0x2] =	stream.indirect_vreg.gather [hbm4b:s6+s3], $0x80, v4, vm0, $0xb8;
	[tilespmem:$0x10200] =	vst v63  }
0x189: {  	s25 =	simm.s32 $0x9A00  }
0x18a: {  	[tilespmem:s25], [sflag:$0x2] =	stream.indirect_vreg.gather [hbm4b:s7+s3], $0x80, v4, vm0, $0xb8;
	[tilespmem:$0x10200] =	vst v63  }
0x18b: {  	s14 =	simm.s32 $0xA200  }
0x18c: {  	[tilespmem:s14], [sflag:$0x2] =	stream.indirect_vreg.gather [hbm4b:s1+s3], $0x80, v3, vm0, $0xb8;
	[tilespmem:$0x10200] =	vst v63  }
0x18d: {  	s2 =	simm.s32 $0xAA00  }
0x18e: {  	[tilespmem:s2], [sflag:$0x2] =	stream.indirect_vreg.gather [hbm4b:s5+s3], $0x80, v3, vm0, $0xb8;
	[tilespmem:$0x10200] =	vst v63  }
0x18f: {  	s4 =	simm.s32 $0xB200  }
0x190: {  	[tilespmem:s4], [sflag:$0x2] =	stream.indirect_vreg.gather [hbm4b:s6+s3], $0x80, v3, vm0, $0xb8;
	[tilespmem:$0x10200] =	vst v63  }
0x191: {  	s25 =	simm.s32 $0xBA00  }
0x192: {  	[tilespmem:s25], [sflag:$0x2] =	stream.indirect_vreg.gather [hbm4b:s7+s3], $0x80, v3, vm0, $0xb8;
	[tilespmem:$0x10200] =	vst v63  }
0x193: {  	v3 =	vld [tilespmem:$0xF0];
	_ =	sdelay $0x4  }
0x194: {  	v47 =	vshll.u32 v3, $0x3  }
0x195: {  	v3 =	vand.u32 $0x7, v3;
	v4 =	vand.u32 $0xFFFFFFC0, v47  }
0x196: {  	v3 =	vor.u32 v3, v4  }
0x197: {  	v4 =	vperm.xlane v3, v0;
	_ =	sdelay $0x1  }
0x198: {  	v4 =	vadd.s32 v1, v4;
	_ =	sdelay $0x3  }
0x199: {  	s25 =	simm.s32 $0xC200  }
0x19a: {  	[tilespmem:s25], [sflag:$0x2] =	stream.indirect_vreg.gather [hbm4b:s1+s3], $0x80, v4, vm0, $0xb8;
	[tilespmem:$0x10200] =	vst v63  }
0x19b: {  	v3 =	vperm.xlane v3, v2;
	s25 =	simm.s32 $0xCA00  }
0x19c: {  	[tilespmem:s25], [sflag:$0x2] =	stream.indirect_vreg.gather [hbm4b:s5+s3], $0x80, v4, vm0, $0xb8;
	[tilespmem:$0x10200] =	vst v63  }
0x19d: {  	s0 =	simm.s32 $0xD200;
	v3 =	vadd.s32 v1, v3  }
0x19e: {  	[tilespmem:s0], [sflag:$0x2] =	stream.indirect_vreg.gather [hbm4b:s6+s3], $0x80, v4, vm0, $0xb8;
	[tilespmem:$0x10200] =	vst v63  }
0x19f: {  	s8 =	simm.s32 $0xDA00  }
0x1a0: {  	[tilespmem:s8], [sflag:$0x2] =	stream.indirect_vreg.gather [hbm4b:s7+s3], $0x80, v4, vm0, $0xb8;
	[tilespmem:$0x10200] =	vst v63  }
0x1a1: {  	s9 =	simm.s32 $0xE200  }
0x1a2: {  	[tilespmem:s9], [sflag:$0x2] =	stream.indirect_vreg.gather [hbm4b:s1+s3], $0x80, v3, vm0, $0xb8;
	[tilespmem:$0x10200] =	vst v63  }
0x1a3: {  	s11 =	simm.s32 $0xEA00  }
0x1a4: {  	[tilespmem:s11], [sflag:$0x2] =	stream.indirect_vreg.gather [hbm4b:s5+s3], $0x80, v3, vm0, $0xb8;
	[tilespmem:$0x10200] =	vst v63  }
0x1a5: {  	s13 =	simm.s32 $0xF200  }
0x1a6: {  	[tilespmem:s13], [sflag:$0x2] =	stream.indirect_vreg.gather [hbm4b:s6+s3], $0x80, v3, vm0, $0xb8;
	[tilespmem:$0x10200] =	vst v63  }
0x1a7: {  	s12 =	simm.s32 $0xFA00  }
0x1a8: {  	[tilespmem:s12], [sflag:$0x2] =	stream.indirect_vreg.gather [hbm4b:s7+s3], $0x80, v3, vm0, $0xb8;
	[tilespmem:$0x10200] =	vst v63  }
0x1a9: {  	s22 =	rddreg [dreg:$0xa]  }
0x1aa: {  	[hbm4b:s22+s3] =	stream.linear.scatter [tilespmem:s10], [sflag:$0x3], $0x8000, $0x38;
	[tilespmem:$0x10200] =	vst v63  }
0x1ab: {  	_ =	swait.ge [sflag:s19], $0x8000  }
0x1ac: {  	[sflag:s19] =	ssyncset.done $0x0  }
0x1ad: {  	[sflag:s19] =	ssyncadd.s32 $0xFFFF8000  }
0x1ae: {  	_ =	swait.ge [sflag:s20], $0x8000  }
0x1af: {  	[sflag:s20] =	ssyncset.done $0x0  }
0x1b0: {  	[sflag:s20] =	ssyncadd.s32 $0xFFFF8000  }
0x1b1: {  	v3 =	vld [tilespmem:$0x100];
	_ =	sdelay $0x4  }
0x1b2: {  	v48 =	vshll.u32 v3, $0x3  }
0x1b3: {  	v3 =	vand.u32 $0x7, v3;
	v4 =	vand.u32 $0xFFFFFFC0, v48  }
0x1b4: {  	v3 =	vor.u32 v3, v4  }
0x1b5: {  	v4 =	vperm.xlane v3, v0;
	_ =	sdelay $0x1  }
0x1b6: {  	v4 =	vadd.s32 v1, v4;
	_ =	sdelay $0x4  }
0x1b7: {  	[tilespmem:s10], [sflag:$0x1] =	stream.indirect_vreg.gather [hbm4b:s1+s3], $0x80, v4, vm0, $0xb8;
	[tilespmem:$0x10200] =	vst v63  }
0x1b8: {  	s24 =	simm.s32 $0xA00;
	v3 =	vperm.xlane v3, v2  }
0x1b9: {  	[tilespmem:s24], [sflag:$0x1] =	stream.indirect_vreg.gather [hbm4b:s5+s3], $0x80, v4, vm0, $0xb8;
	[tilespmem:$0x10200] =	vst v63  }
0x1ba: {  	v3 =	vadd.s32 v1, v3;
	s24 =	simm.s32 $0x1200  }
0x1bb: {  	[tilespmem:s24], [sflag:$0x1] =	stream.indirect_vreg.gather [hbm4b:s6+s3], $0x80, v4, vm0, $0xb8;
	[tilespmem:$0x10200] =	vst v63  }
0x1bc: {  	s24 =	simm.s32 $0x1A00  }
0x1bd: {  	[tilespmem:s24], [sflag:$0x1] =	stream.indirect_vreg.gather [hbm4b:s7+s3], $0x80, v4, vm0, $0xb8;
	[tilespmem:$0x10200] =	vst v63  }
0x1be: {  	s22 =	simm.s32 $0x2200  }
0x1bf: {  	[tilespmem:s22], [sflag:$0x1] =	stream.indirect_vreg.gather [hbm4b:s1+s3], $0x80, v3, vm0, $0xb8;
	[tilespmem:$0x10200] =	vst v63  }
0x1c0: {  	s30 =	simm.s32 $0x2A00  }
0x1c1: {  	[tilespmem:s30], [sflag:$0x1] =	stream.indirect_vreg.gather [hbm4b:s5+s3], $0x80, v3, vm0, $0xb8;
	[tilespmem:$0x10200] =	vst v63  }
0x1c2: {  	s31 =	simm.s32 $0x3200  }
0x1c3: {  	[tilespmem:s31], [sflag:$0x1] =	stream.indirect_vreg.gather [hbm4b:s6+s3], $0x80, v3, vm0, $0xb8;
	[tilespmem:$0x10200] =	vst v63  }
0x1c4: {  	s30 =	simm.s32 $0x3A00  }
0x1c5: {  	[tilespmem:s30], [sflag:$0x1] =	stream.indirect_vreg.gather [hbm4b:s7+s3], $0x80, v3, vm0, $0xb8;
	[tilespmem:$0x10200] =	vst v63  }
0x1c6: {  	v3 =	vld [tilespmem:$0x110];
	_ =	sdelay $0x4  }
0x1c7: {  	v49 =	vshll.u32 v3, $0x3  }
0x1c8: {  	v3 =	vand.u32 $0x7, v3;
	v4 =	vand.u32 $0xFFFFFFC0, v49  }
0x1c9: {  	v3 =	vor.u32 v3, v4  }
0x1ca: {  	v4 =	vperm.xlane v3, v0;
	_ =	sdelay $0x1  }
0x1cb: {  	v4 =	vadd.s32 v1, v4;
	_ =	sdelay $0x3  }
0x1cc: {  	s30 =	simm.s32 $0x4200  }
0x1cd: {  	[tilespmem:s30], [sflag:$0x1] =	stream.indirect_vreg.gather [hbm4b:s1+s3], $0x80, v4, vm0, $0xb8;
	[tilespmem:$0x10200] =	vst v63  }
0x1ce: {  	s23 =	simm.s32 $0x4A00;
	v3 =	vperm.xlane v3, v2  }
0x1cf: {  	[tilespmem:s23], [sflag:$0x1] =	stream.indirect_vreg.gather [hbm4b:s5+s3], $0x80, v4, vm0, $0xb8;
	[tilespmem:$0x10200] =	vst v63  }
0x1d0: {  	v3 =	vadd.s32 v1, v3;
	s30 =	simm.s32 $0x5200  }
0x1d1: {  	[tilespmem:s30], [sflag:$0x1] =	stream.indirect_vreg.gather [hbm4b:s6+s3], $0x80, v4, vm0, $0xb8;
	[tilespmem:$0x10200] =	vst v63  }
0x1d2: {  	s30 =	simm.s32 $0x5A00  }
0x1d3: {  	[tilespmem:s30], [sflag:$0x1] =	stream.indirect_vreg.gather [hbm4b:s7+s3], $0x80, v4, vm0, $0xb8;
	[tilespmem:$0x10200] =	vst v63  }
0x1d4: {  	s16 =	simm.s32 $0x6200  }
0x1d5: {  	[tilespmem:s16], [sflag:$0x1] =	stream.indirect_vreg.gather [hbm4b:s1+s3], $0x80, v3, vm0, $0xb8;
	[tilespmem:$0x10200] =	vst v63  }
0x1d6: {  	s17 =	simm.s32 $0x6A00  }
0x1d7: {  	[tilespmem:s17], [sflag:$0x1] =	stream.indirect_vreg.gather [hbm4b:s5+s3], $0x80, v3, vm0, $0xb8;
	[tilespmem:$0x10200] =	vst v63  }
0x1d8: {  	s29 =	simm.s32 $0x7200  }
0x1d9: {  	[tilespmem:s29], [sflag:$0x1] =	stream.indirect_vreg.gather [hbm4b:s6+s3], $0x80, v3, vm0, $0xb8;
	[tilespmem:$0x10200] =	vst v63  }
0x1da: {  	s18 =	simm.s32 $0x7A00  }
0x1db: {  	[tilespmem:s18], [sflag:$0x1] =	stream.indirect_vreg.gather [hbm4b:s7+s3], $0x80, v3, vm0, $0xb8;
	[tilespmem:$0x10200] =	vst v63  }
0x1dc: {  	s29 =	rddreg [dreg:$0xb]  }
0x1dd: {  	[hbm4b:s29+s3] =	stream.linear.scatter [tilespmem:s28], [sflag:$0x4], $0x8000, $0x38;
	[tilespmem:$0x10200] =	vst v63  }
0x1de: {  	_ =	swait.ge [sflag:s26], $0x8000  }
0x1df: {  	[sflag:s26] =	ssyncset.done $0x0  }
0x1e0: {  	[sflag:s26] =	ssyncadd.s32 $0xFFFF8000  }
0x1e1: {  	_ =	swait.ge [sflag:s21], $0x8000  }
0x1e2: {  	[sflag:s21] =	ssyncset.done $0x0  }
0x1e3: {  	[sflag:s21] =	ssyncadd.s32 $0xFFFF8000  }
0x1e4: {  	v3 =	vld [tilespmem:$0x120];
	_ =	sdelay $0x4  }
0x1e5: {  	v50 =	vshll.u32 v3, $0x3  }
0x1e6: {  	v3 =	vand.u32 $0x7, v3;
	v4 =	vand.u32 $0xFFFFFFC0, v50  }
0x1e7: {  	v3 =	vor.u32 v3, v4  }
0x1e8: {  	v4 =	vperm.xlane v3, v0;
	_ =	sdelay $0x1  }
0x1e9: {  	v4 =	vadd.s32 v1, v4;
	_ =	sdelay $0x4  }
0x1ea: {  	[tilespmem:s28], [sflag:$0x2] =	stream.indirect_vreg.gather [hbm4b:s1+s3], $0x80, v4, vm0, $0xb8;
	[tilespmem:$0x10200] =	vst v63  }
0x1eb: {  	s29 =	simm.s32 $0x8A00;
	v3 =	vperm.xlane v3, v2  }
0x1ec: {  	[tilespmem:s29], [sflag:$0x2] =	stream.indirect_vreg.gather [hbm4b:s5+s3], $0x80, v4, vm0, $0xb8;
	[tilespmem:$0x10200] =	vst v63  }
0x1ed: {  	v3 =	vadd.s32 v1, v3;
	s29 =	simm.s32 $0x9200  }
0x1ee: {  	[tilespmem:s29], [sflag:$0x2] =	stream.indirect_vreg.gather [hbm4b:s6+s3], $0x80, v4, vm0, $0xb8;
	[tilespmem:$0x10200] =	vst v63  }
0x1ef: {  	s29 =	simm.s32 $0x9A00  }
0x1f0: {  	[tilespmem:s29], [sflag:$0x2] =	stream.indirect_vreg.gather [hbm4b:s7+s3], $0x80, v4, vm0, $0xb8;
	[tilespmem:$0x10200] =	vst v63  }
0x1f1: {  	s14 =	simm.s32 $0xA200  }
0x1f2: {  	[tilespmem:s14], [sflag:$0x2] =	stream.indirect_vreg.gather [hbm4b:s1+s3], $0x80, v3, vm0, $0xb8;
	[tilespmem:$0x10200] =	vst v63  }
0x1f3: {  	s2 =	simm.s32 $0xAA00  }
0x1f4: {  	[tilespmem:s2], [sflag:$0x2] =	stream.indirect_vreg.gather [hbm4b:s5+s3], $0x80, v3, vm0, $0xb8;
	[tilespmem:$0x10200] =	vst v63  }
0x1f5: {  	s4 =	simm.s32 $0xB200  }
0x1f6: {  	[tilespmem:s4], [sflag:$0x2] =	stream.indirect_vreg.gather [hbm4b:s6+s3], $0x80, v3, vm0, $0xb8;
	[tilespmem:$0x10200] =	vst v63  }
0x1f7: {  	s29 =	simm.s32 $0xBA00  }
0x1f8: {  	[tilespmem:s29], [sflag:$0x2] =	stream.indirect_vreg.gather [hbm4b:s7+s3], $0x80, v3, vm0, $0xb8;
	[tilespmem:$0x10200] =	vst v63  }
0x1f9: {  	v3 =	vld [tilespmem:$0x130];
	_ =	sdelay $0x4  }
0x1fa: {  	v51 =	vshll.u32 v3, $0x3  }
0x1fb: {  	v3 =	vand.u32 $0x7, v3;
	v4 =	vand.u32 $0xFFFFFFC0, v51  }
0x1fc: {  	v3 =	vor.u32 v3, v4  }
0x1fd: {  	v4 =	vperm.xlane v3, v0;
	_ =	sdelay $0x1  }
0x1fe: {  	v4 =	vadd.s32 v1, v4;
	_ =	sdelay $0x3  }
0x1ff: {  	s29 =	simm.s32 $0xC200  }
0x200: {  	[tilespmem:s29], [sflag:$0x2] =	stream.indirect_vreg.gather [hbm4b:s1+s3], $0x80, v4, vm0, $0xb8;
	[tilespmem:$0x10200] =	vst v63  }
0x201: {  	v3 =	vperm.xlane v3, v2;
	s29 =	simm.s32 $0xCA00  }
0x202: {  	[tilespmem:s29], [sflag:$0x2] =	stream.indirect_vreg.gather [hbm4b:s5+s3], $0x80, v4, vm0, $0xb8;
	[tilespmem:$0x10200] =	vst v63  }
0x203: {  	s25 =	simm.s32 $0xD200;
	v3 =	vadd.s32 v1, v3  }
0x204: {  	[tilespmem:s25], [sflag:$0x2] =	stream.indirect_vreg.gather [hbm4b:s6+s3], $0x80, v4, vm0, $0xb8;
	[tilespmem:$0x10200] =	vst v63  }
0x205: {  	s8 =	simm.s32 $0xDA00  }
0x206: {  	[tilespmem:s8], [sflag:$0x2] =	stream.indirect_vreg.gather [hbm4b:s7+s3], $0x80, v4, vm0, $0xb8;
	[tilespmem:$0x10200] =	vst v63  }
0x207: {  	s0 =	simm.s32 $0xE200  }
0x208: {  	[tilespmem:s0], [sflag:$0x2] =	stream.indirect_vreg.gather [hbm4b:s1+s3], $0x80, v3, vm0, $0xb8;
	[tilespmem:$0x10200] =	vst v63  }
0x209: {  	s9 =	simm.s32 $0xEA00  }
0x20a: {  	[tilespmem:s9], [sflag:$0x2] =	stream.indirect_vreg.gather [hbm4b:s5+s3], $0x80, v3, vm0, $0xb8;
	[tilespmem:$0x10200] =	vst v63  }
0x20b: {  	s13 =	simm.s32 $0xF200  }
0x20c: {  	[tilespmem:s13], [sflag:$0x2] =	stream.indirect_vreg.gather [hbm4b:s6+s3], $0x80, v3, vm0, $0xb8;
	[tilespmem:$0x10200] =	vst v63  }
0x20d: {  	s11 =	simm.s32 $0xFA00  }
0x20e: {  	[tilespmem:s11], [sflag:$0x2] =	stream.indirect_vreg.gather [hbm4b:s7+s3], $0x80, v3, vm0, $0xb8;
	[tilespmem:$0x10200] =	vst v63  }
0x20f: {  	s22 =	rddreg [dreg:$0xc]  }
0x210: {  	[hbm4b:s22+s3] =	stream.linear.scatter [tilespmem:s10], [sflag:$0x3], $0x8000, $0x38;
	[tilespmem:$0x10200] =	vst v63  }
0x211: {  	_ =	swait.ge [sflag:s19], $0x8000  }
0x212: {  	[sflag:s19] =	ssyncset.done $0x0  }
0x213: {  	[sflag:s19] =	ssyncadd.s32 $0xFFFF8000  }
0x214: {  	_ =	swait.ge [sflag:s20], $0x8000  }
0x215: {  	[sflag:s20] =	ssyncset.done $0x0  }
0x216: {  	[sflag:s20] =	ssyncadd.s32 $0xFFFF8000  }
0x217: {  	v3 =	vld [tilespmem:$0x140];
	_ =	sdelay $0x4  }
0x218: {  	v52 =	vshll.u32 v3, $0x3  }
0x219: {  	v3 =	vand.u32 $0x7, v3;
	v4 =	vand.u32 $0xFFFFFFC0, v52  }
0x21a: {  	v3 =	vor.u32 v3, v4  }
0x21b: {  	v4 =	vperm.xlane v3, v0;
	_ =	sdelay $0x1  }
0x21c: {  	v4 =	vadd.s32 v1, v4;
	_ =	sdelay $0x4  }
0x21d: {  	[tilespmem:s10], [sflag:$0x1] =	stream.indirect_vreg.gather [hbm4b:s1+s3], $0x80, v4, vm0, $0xb8;
	[tilespmem:$0x10200] =	vst v63  }
0x21e: {  	s12 =	simm.s32 $0xA00;
	v3 =	vperm.xlane v3, v2  }
0x21f: {  	[tilespmem:s12], [sflag:$0x1] =	stream.indirect_vreg.gather [hbm4b:s5+s3], $0x80, v4, vm0, $0xb8;
	[tilespmem:$0x10200] =	vst v63  }
0x220: {  	s22 =	simm.s32 $0x1200;
	v3 =	vadd.s32 v1, v3  }
0x221: {  	[tilespmem:s22], [sflag:$0x1] =	stream.indirect_vreg.gather [hbm4b:s6+s3], $0x80, v4, vm0, $0xb8;
	[tilespmem:$0x10200] =	vst v63  }
0x222: {  	s24 =	simm.s32 $0x1A00  }
0x223: {  	[tilespmem:s24], [sflag:$0x1] =	stream.indirect_vreg.gather [hbm4b:s7+s3], $0x80, v4, vm0, $0xb8;
	[tilespmem:$0x10200] =	vst v63  }
0x224: {  	s24 =	simm.s32 $0x2200  }
0x225: {  	[tilespmem:s24], [sflag:$0x1] =	stream.indirect_vreg.gather [hbm4b:s1+s3], $0x80, v3, vm0, $0xb8;
	[tilespmem:$0x10200] =	vst v63  }
0x226: {  	s22 =	simm.s32 $0x2A00  }
0x227: {  	[tilespmem:s22], [sflag:$0x1] =	stream.indirect_vreg.gather [hbm4b:s5+s3], $0x80, v3, vm0, $0xb8;
	[tilespmem:$0x10200] =	vst v63  }
0x228: {  	s31 =	simm.s32 $0x3200  }
0x229: {  	[tilespmem:s31], [sflag:$0x1] =	stream.indirect_vreg.gather [hbm4b:s6+s3], $0x80, v3, vm0, $0xb8;
	[tilespmem:$0x10200] =	vst v63  }
0x22a: {  	s31 =	simm.s32 $0x3A00  }
0x22b: {  	[tilespmem:s31], [sflag:$0x1] =	stream.indirect_vreg.gather [hbm4b:s7+s3], $0x80, v3, vm0, $0xb8;
	[tilespmem:$0x10200] =	vst v63  }
0x22c: {  	v3 =	vld [tilespmem:$0x150];
	_ =	sdelay $0x4  }
0x22d: {  	v53 =	vshll.u32 v3, $0x3  }
0x22e: {  	v3 =	vand.u32 $0x7, v3;
	v4 =	vand.u32 $0xFFFFFFC0, v53  }
0x22f: {  	v3 =	vor.u32 v3, v4  }
0x230: {  	v4 =	vperm.xlane v3, v0;
	_ =	sdelay $0x1  }
0x231: {  	v4 =	vadd.s32 v1, v4;
	_ =	sdelay $0x3  }
0x232: {  	s22 =	simm.s32 $0x4200  }
0x233: {  	[tilespmem:s22], [sflag:$0x1] =	stream.indirect_vreg.gather [hbm4b:s1+s3], $0x80, v4, vm0, $0xb8;
	[tilespmem:$0x10200] =	vst v63  }
0x234: {  	s23 =	simm.s32 $0x4A00;
	v3 =	vperm.xlane v3, v2  }
0x235: {  	[tilespmem:s23], [sflag:$0x1] =	stream.indirect_vreg.gather [hbm4b:s5+s3], $0x80, v4, vm0, $0xb8;
	[tilespmem:$0x10200] =	vst v63  }
0x236: {  	v3 =	vadd.s32 v1, v3;
	s23 =	simm.s32 $0x5200  }
0x237: {  	[tilespmem:s23], [sflag:$0x1] =	stream.indirect_vreg.gather [hbm4b:s6+s3], $0x80, v4, vm0, $0xb8;
	[tilespmem:$0x10200] =	vst v63  }
0x238: {  	s31 =	simm.s32 $0x5A00  }
0x239: {  	[tilespmem:s31], [sflag:$0x1] =	stream.indirect_vreg.gather [hbm4b:s7+s3], $0x80, v4, vm0, $0xb8;
	[tilespmem:$0x10200] =	vst v63  }
0x23a: {  	s16 =	simm.s32 $0x6200  }
0x23b: {  	[tilespmem:s16], [sflag:$0x1] =	stream.indirect_vreg.gather [hbm4b:s1+s3], $0x80, v3, vm0, $0xb8;
	[tilespmem:$0x10200] =	vst v63  }
0x23c: {  	s17 =	simm.s32 $0x6A00  }
0x23d: {  	[tilespmem:s17], [sflag:$0x1] =	stream.indirect_vreg.gather [hbm4b:s5+s3], $0x80, v3, vm0, $0xb8;
	[tilespmem:$0x10200] =	vst v63  }
0x23e: {  	s30 =	simm.s32 $0x7200  }
0x23f: {  	[tilespmem:s30], [sflag:$0x1] =	stream.indirect_vreg.gather [hbm4b:s6+s3], $0x80, v3, vm0, $0xb8;
	[tilespmem:$0x10200] =	vst v63  }
0x240: {  	s18 =	simm.s32 $0x7A00  }
0x241: {  	[tilespmem:s18], [sflag:$0x1] =	stream.indirect_vreg.gather [hbm4b:s7+s3], $0x80, v3, vm0, $0xb8;
	[tilespmem:$0x10200] =	vst v63  }
0x242: {  	s16 =	rddreg [dreg:$0xd]  }
0x243: {  	[hbm4b:s16+s3] =	stream.linear.scatter [tilespmem:s28], [sflag:$0x4], $0x8000, $0x38;
	[tilespmem:$0x10200] =	vst v63  }
0x244: {  	_ =	swait.ge [sflag:s26], $0x8000  }
0x245: {  	[sflag:s26] =	ssyncset.done $0x0  }
0x246: {  	[sflag:s26] =	ssyncadd.s32 $0xFFFF8000  }
0x247: {  	_ =	swait.ge [sflag:s21], $0x8000  }
0x248: {  	[sflag:s21] =	ssyncset.done $0x0  }
0x249: {  	[sflag:s21] =	ssyncadd.s32 $0xFFFF8000  }
0x24a: {  	v3 =	vld [tilespmem:$0x160];
	_ =	sdelay $0x4  }
0x24b: {  	v54 =	vshll.u32 v3, $0x3  }
0x24c: {  	v3 =	vand.u32 $0x7, v3;
	v4 =	vand.u32 $0xFFFFFFC0, v54  }
0x24d: {  	v3 =	vor.u32 v3, v4  }
0x24e: {  	v4 =	vperm.xlane v3, v0;
	_ =	sdelay $0x1  }
0x24f: {  	v4 =	vadd.s32 v1, v4;
	_ =	sdelay $0x4  }
0x250: {  	[tilespmem:s28], [sflag:$0x2] =	stream.indirect_vreg.gather [hbm4b:s1+s3], $0x80, v4, vm0, $0xb8;
	[tilespmem:$0x10200] =	vst v63  }
0x251: {  	s22 =	simm.s32 $0x8A00;
	v3 =	vperm.xlane v3, v2  }
0x252: {  	[tilespmem:s22], [sflag:$0x2] =	stream.indirect_vreg.gather [hbm4b:s5+s3], $0x80, v4, vm0, $0xb8;
	[tilespmem:$0x10200] =	vst v63  }
0x253: {  	s23 =	simm.s32 $0x9200;
	v3 =	vadd.s32 v1, v3  }
0x254: {  	[tilespmem:s23], [sflag:$0x2] =	stream.indirect_vreg.gather [hbm4b:s6+s3], $0x80, v4, vm0, $0xb8;
	[tilespmem:$0x10200] =	vst v63  }
0x255: {  	s30 =	simm.s32 $0x9A00  }
0x256: {  	[tilespmem:s30], [sflag:$0x2] =	stream.indirect_vreg.gather [hbm4b:s7+s3], $0x80, v4, vm0, $0xb8;
	[tilespmem:$0x10200] =	vst v63  }
0x257: {  	s14 =	simm.s32 $0xA200  }
0x258: {  	[tilespmem:s14], [sflag:$0x2] =	stream.indirect_vreg.gather [hbm4b:s1+s3], $0x80, v3, vm0, $0xb8;
	[tilespmem:$0x10200] =	vst v63  }
0x259: {  	s2 =	simm.s32 $0xAA00  }
0x25a: {  	[tilespmem:s2], [sflag:$0x2] =	stream.indirect_vreg.gather [hbm4b:s5+s3], $0x80, v3, vm0, $0xb8;
	[tilespmem:$0x10200] =	vst v63  }
0x25b: {  	s4 =	simm.s32 $0xB200  }
0x25c: {  	[tilespmem:s4], [sflag:$0x2] =	stream.indirect_vreg.gather [hbm4b:s6+s3], $0x80, v3, vm0, $0xb8;
	[tilespmem:$0x10200] =	vst v63  }
0x25d: {  	s22 =	simm.s32 $0xBA00  }
0x25e: {  	[tilespmem:s22], [sflag:$0x2] =	stream.indirect_vreg.gather [hbm4b:s7+s3], $0x80, v3, vm0, $0xb8;
	[tilespmem:$0x10200] =	vst v63  }
0x25f: {  	v3 =	vld [tilespmem:$0x170];
	_ =	sdelay $0x4  }
0x260: {  	v55 =	vshll.u32 v3, $0x3  }
0x261: {  	v3 =	vand.u32 $0x7, v3;
	v4 =	vand.u32 $0xFFFFFFC0, v55  }
0x262: {  	v3 =	vor.u32 v3, v4  }
0x263: {  	v4 =	vperm.xlane v3, v0;
	_ =	sdelay $0x1  }
0x264: {  	v4 =	vadd.s32 v1, v4;
	_ =	sdelay $0x3  }
0x265: {  	s23 =	simm.s32 $0xC200  }
0x266: {  	[tilespmem:s23], [sflag:$0x2] =	stream.indirect_vreg.gather [hbm4b:s1+s3], $0x80, v4, vm0, $0xb8;
	[tilespmem:$0x10200] =	vst v63  }
0x267: {  	s30 =	simm.s32 $0xCA00;
	v3 =	vperm.xlane v3, v2  }
0x268: {  	[tilespmem:s30], [sflag:$0x2] =	stream.indirect_vreg.gather [hbm4b:s5+s3], $0x80, v4, vm0, $0xb8;
	[tilespmem:$0x10200] =	vst v63  }
0x269: {  	s29 =	simm.s32 $0xD200;
	v3 =	vadd.s32 v1, v3  }
0x26a: {  	[tilespmem:s29], [sflag:$0x2] =	stream.indirect_vreg.gather [hbm4b:s6+s3], $0x80, v4, vm0, $0xb8;
	[tilespmem:$0x10200] =	vst v63  }
0x26b: {  	s8 =	simm.s32 $0xDA00  }
0x26c: {  	[tilespmem:s8], [sflag:$0x2] =	stream.indirect_vreg.gather [hbm4b:s7+s3], $0x80, v4, vm0, $0xb8;
	[tilespmem:$0x10200] =	vst v63  }
0x26d: {  	s25 =	simm.s32 $0xE200  }
0x26e: {  	[tilespmem:s25], [sflag:$0x2] =	stream.indirect_vreg.gather [hbm4b:s1+s3], $0x80, v3, vm0, $0xb8;
	[tilespmem:$0x10200] =	vst v63  }
0x26f: {  	s0 =	simm.s32 $0xEA00  }
0x270: {  	[tilespmem:s0], [sflag:$0x2] =	stream.indirect_vreg.gather [hbm4b:s5+s3], $0x80, v3, vm0, $0xb8;
	[tilespmem:$0x10200] =	vst v63  }
0x271: {  	s13 =	simm.s32 $0xF200  }
0x272: {  	[tilespmem:s13], [sflag:$0x2] =	stream.indirect_vreg.gather [hbm4b:s6+s3], $0x80, v3, vm0, $0xb8;
	[tilespmem:$0x10200] =	vst v63  }
0x273: {  	s9 =	simm.s32 $0xFA00  }
0x274: {  	[tilespmem:s9], [sflag:$0x2] =	stream.indirect_vreg.gather [hbm4b:s7+s3], $0x80, v3, vm0, $0xb8;
	[tilespmem:$0x10200] =	vst v63  }
0x275: {  	s8 =	rddreg [dreg:$0xe]  }
0x276: {  	[hbm4b:s8+s3] =	stream.linear.scatter [tilespmem:s10], [sflag:$0x3], $0x8000, $0x38;
	[tilespmem:$0x10200] =	vst v63  }
0x277: {  	_ =	swait.ge [sflag:s19], $0x8000  }
0x278: {  	[sflag:s19] =	ssyncset.done $0x0  }
0x279: {  	[sflag:s19] =	ssyncadd.s32 $0xFFFF8000  }
0x27a: {  	_ =	swait.ge [sflag:s20], $0x8000  }
0x27b: {  	[sflag:s20] =	ssyncset.done $0x0  }
0x27c: {  	[sflag:s20] =	ssyncadd.s32 $0xFFFF8000  }
0x27d: {  	v3 =	vld [tilespmem:$0x180];
	_ =	sdelay $0x4  }
0x27e: {  	v56 =	vshll.u32 v3, $0x3  }
0x27f: {  	v3 =	vand.u32 $0x7, v3;
	v4 =	vand.u32 $0xFFFFFFC0, v56  }
0x280: {  	v3 =	vor.u32 v3, v4  }
0x281: {  	v4 =	vperm.xlane v3, v0;
	_ =	sdelay $0x1  }
0x282: {  	v4 =	vadd.s32 v1, v4;
	_ =	sdelay $0x4  }
0x283: {  	[tilespmem:s10], [sflag:$0x1] =	stream.indirect_vreg.gather [hbm4b:s1+s3], $0x80, v4, vm0, $0xb8;
	[tilespmem:$0x10200] =	vst v63  }
0x284: {  	s11 =	simm.s32 $0xA00;
	v3 =	vperm.xlane v3, v2  }
0x285: {  	[tilespmem:s11], [sflag:$0x1] =	stream.indirect_vreg.gather [hbm4b:s5+s3], $0x80, v4, vm0, $0xb8;
	[tilespmem:$0x10200] =	vst v63  }
0x286: {  	s13 =	simm.s32 $0x1200;
	v3 =	vadd.s32 v1, v3  }
0x287: {  	[tilespmem:s13], [sflag:$0x1] =	stream.indirect_vreg.gather [hbm4b:s6+s3], $0x80, v4, vm0, $0xb8;
	[tilespmem:$0x10200] =	vst v63  }
0x288: {  	s22 =	simm.s32 $0x1A00  }
0x289: {  	[tilespmem:s22], [sflag:$0x1] =	stream.indirect_vreg.gather [hbm4b:s7+s3], $0x80, v4, vm0, $0xb8;
	[tilespmem:$0x10200] =	vst v63  }
0x28a: {  	s24 =	simm.s32 $0x2200  }
0x28b: {  	[tilespmem:s24], [sflag:$0x1] =	stream.indirect_vreg.gather [hbm4b:s1+s3], $0x80, v3, vm0, $0xb8;
	[tilespmem:$0x10200] =	vst v63  }
0x28c: {  	s24 =	simm.s32 $0x2A00  }
0x28d: {  	[tilespmem:s24], [sflag:$0x1] =	stream.indirect_vreg.gather [hbm4b:s5+s3], $0x80, v3, vm0, $0xb8;
	[tilespmem:$0x10200] =	vst v63  }
0x28e: {  	s25 =	simm.s32 $0x3200  }
0x28f: {  	[tilespmem:s25], [sflag:$0x1] =	stream.indirect_vreg.gather [hbm4b:s6+s3], $0x80, v3, vm0, $0xb8;
	[tilespmem:$0x10200] =	vst v63  }
0x290: {  	s13 =	simm.s32 $0x3A00  }
0x291: {  	[tilespmem:s13], [sflag:$0x1] =	stream.indirect_vreg.gather [hbm4b:s7+s3], $0x80, v3, vm0, $0xb8;
	[tilespmem:$0x10200] =	vst v63  }
0x292: {  	v3 =	vld [tilespmem:$0x190];
	_ =	sdelay $0x4  }
0x293: {  	v57 =	vshll.u32 v3, $0x3  }
0x294: {  	v3 =	vand.u32 $0x7, v3;
	v4 =	vand.u32 $0xFFFFFFC0, v57  }
0x295: {  	v3 =	vor.u32 v3, v4  }
0x296: {  	v4 =	vperm.xlane v3, v0;
	_ =	sdelay $0x1  }
0x297: {  	v4 =	vadd.s32 v1, v4;
	_ =	sdelay $0x3  }
0x298: {  	s22 =	simm.s32 $0x4200  }
0x299: {  	[tilespmem:s22], [sflag:$0x1] =	stream.indirect_vreg.gather [hbm4b:s1+s3], $0x80, v4, vm0, $0xb8;
	[tilespmem:$0x10200] =	vst v63  }
0x29a: {  	s12 =	simm.s32 $0x4A00;
	v3 =	vperm.xlane v3, v2  }
0x29b: {  	[tilespmem:s12], [sflag:$0x1] =	stream.indirect_vreg.gather [hbm4b:s5+s3], $0x80, v4, vm0, $0xb8;
	[tilespmem:$0x10200] =	vst v63  }
0x29c: {  	s24 =	simm.s32 $0x5200;
	v3 =	vadd.s32 v1, v3  }
0x29d: {  	[tilespmem:s24], [sflag:$0x1] =	stream.indirect_vreg.gather [hbm4b:s6+s3], $0x80, v4, vm0, $0xb8;
	[tilespmem:$0x10200] =	vst v63  }
0x29e: {  	s25 =	simm.s32 $0x5A00  }
0x29f: {  	[tilespmem:s25], [sflag:$0x1] =	stream.indirect_vreg.gather [hbm4b:s7+s3], $0x80, v4, vm0, $0xb8;
	[tilespmem:$0x10200] =	vst v63  }
0x2a0: {  	s31 =	simm.s32 $0x6200  }
0x2a1: {  	[tilespmem:s31], [sflag:$0x1] =	stream.indirect_vreg.gather [hbm4b:s1+s3], $0x80, v3, vm0, $0xb8;
	[tilespmem:$0x10200] =	vst v63  }
0x2a2: {  	s17 =	simm.s32 $0x6A00  }
0x2a3: {  	[tilespmem:s17], [sflag:$0x1] =	stream.indirect_vreg.gather [hbm4b:s5+s3], $0x80, v3, vm0, $0xb8;
	[tilespmem:$0x10200] =	vst v63  }
0x2a4: {  	s31 =	simm.s32 $0x7200  }
0x2a5: {  	[tilespmem:s31], [sflag:$0x1] =	stream.indirect_vreg.gather [hbm4b:s6+s3], $0x80, v3, vm0, $0xb8;
	[tilespmem:$0x10200] =	vst v63  }
0x2a6: {  	s18 =	simm.s32 $0x7A00  }
0x2a7: {  	[tilespmem:s18], [sflag:$0x1] =	stream.indirect_vreg.gather [hbm4b:s7+s3], $0x80, v3, vm0, $0xb8;
	[tilespmem:$0x10200] =	vst v63  }
0x2a8: {  	s12 =	rddreg [dreg:$0xf]  }
0x2a9: {  	[hbm4b:s12+s3] =	stream.linear.scatter [tilespmem:s28], [sflag:$0x4], $0x8000, $0x38;
	[tilespmem:$0x10200] =	vst v63  }
0x2aa: {  	_ =	swait.ge [sflag:s26], $0x8000  }
0x2ab: {  	[sflag:s26] =	ssyncset.done $0x0  }
0x2ac: {  	[sflag:s26] =	ssyncadd.s32 $0xFFFF8000  }
0x2ad: {  	_ =	swait.ge [sflag:s21], $0x8000  }
0x2ae: {  	[sflag:s21] =	ssyncset.done $0x0  }
0x2af: {  	[sflag:s21] =	ssyncadd.s32 $0xFFFF8000  }
0x2b0: {  	v3 =	vld [tilespmem:$0x1A0];
	_ =	sdelay $0x4  }
0x2b1: {  	v58 =	vshll.u32 v3, $0x3  }
0x2b2: {  	v3 =	vand.u32 $0x7, v3;
	v4 =	vand.u32 $0xFFFFFFC0, v58  }
0x2b3: {  	v3 =	vor.u32 v3, v4  }
0x2b4: {  	v4 =	vperm.xlane v3, v0;
	_ =	sdelay $0x1  }
0x2b5: {  	v4 =	vadd.s32 v1, v4;
	_ =	sdelay $0x4  }
0x2b6: {  	[tilespmem:s28], [sflag:$0x2] =	stream.indirect_vreg.gather [hbm4b:s1+s3], $0x80, v4, vm0, $0xb8;
	[tilespmem:$0x10200] =	vst v63  }
0x2b7: {  	s22 =	simm.s32 $0x8A00;
	v3 =	vperm.xlane v3, v2  }
0x2b8: {  	[tilespmem:s22], [sflag:$0x2] =	stream.indirect_vreg.gather [hbm4b:s5+s3], $0x80, v4, vm0, $0xb8;
	[tilespmem:$0x10200] =	vst v63  }
0x2b9: {  	s12 =	simm.s32 $0x9200;
	v3 =	vadd.s32 v1, v3  }
0x2ba: {  	[tilespmem:s12], [sflag:$0x2] =	stream.indirect_vreg.gather [hbm4b:s6+s3], $0x80, v4, vm0, $0xb8;
	[tilespmem:$0x10200] =	vst v63  }
0x2bb: {  	s18 =	simm.s32 $0x9A00  }
0x2bc: {  	[tilespmem:s18], [sflag:$0x2] =	stream.indirect_vreg.gather [hbm4b:s7+s3], $0x80, v4, vm0, $0xb8;
	[tilespmem:$0x10200] =	vst v63  }
0x2bd: {  	s14 =	simm.s32 $0xA200  }
0x2be: {  	[tilespmem:s14], [sflag:$0x2] =	stream.indirect_vreg.gather [hbm4b:s1+s3], $0x80, v3, vm0, $0xb8;
	[tilespmem:$0x10200] =	vst v63  }
0x2bf: {  	s2 =	simm.s32 $0xAA00  }
0x2c0: {  	[tilespmem:s2], [sflag:$0x2] =	stream.indirect_vreg.gather [hbm4b:s5+s3], $0x80, v3, vm0, $0xb8;
	[tilespmem:$0x10200] =	vst v63  }
0x2c1: {  	s4 =	simm.s32 $0xB200  }
0x2c2: {  	[tilespmem:s4], [sflag:$0x2] =	stream.indirect_vreg.gather [hbm4b:s6+s3], $0x80, v3, vm0, $0xb8;
	[tilespmem:$0x10200] =	vst v63  }
0x2c3: {  	s22 =	simm.s32 $0xBA00  }
0x2c4: {  	[tilespmem:s22], [sflag:$0x2] =	stream.indirect_vreg.gather [hbm4b:s7+s3], $0x80, v3, vm0, $0xb8;
	[tilespmem:$0x10200] =	vst v63  }
0x2c5: {  	v3 =	vld [tilespmem:$0x1B0];
	_ =	sdelay $0x4  }
0x2c6: {  	v59 =	vshll.u32 v3, $0x3  }
0x2c7: {  	v3 =	vand.u32 $0x7, v3;
	v4 =	vand.u32 $0xFFFFFFC0, v59  }
0x2c8: {  	v3 =	vor.u32 v3, v4  }
0x2c9: {  	v4 =	vperm.xlane v3, v0;
	_ =	sdelay $0x1  }
0x2ca: {  	v4 =	vadd.s32 v1, v4;
	_ =	sdelay $0x3  }
0x2cb: {  	s14 =	simm.s32 $0xC200  }
0x2cc: {  	[tilespmem:s14], [sflag:$0x2] =	stream.indirect_vreg.gather [hbm4b:s1+s3], $0x80, v4, vm0, $0xb8;
	[tilespmem:$0x10200] =	vst v63  }
0x2cd: {  	s18 =	simm.s32 $0xCA00;
	v3 =	vperm.xlane v3, v2  }
0x2ce: {  	[tilespmem:s18], [sflag:$0x2] =	stream.indirect_vreg.gather [hbm4b:s5+s3], $0x80, v4, vm0, $0xb8;
	[tilespmem:$0x10200] =	vst v63  }
0x2cf: {  	s22 =	simm.s32 $0xD200;
	v3 =	vadd.s32 v1, v3  }
0x2d0: {  	[tilespmem:s22], [sflag:$0x2] =	stream.indirect_vreg.gather [hbm4b:s6+s3], $0x80, v4, vm0, $0xb8;
	[tilespmem:$0x10200] =	vst v63  }
0x2d1: {  	s30 =	simm.s32 $0xDA00  }
0x2d2: {  	[tilespmem:s30], [sflag:$0x2] =	stream.indirect_vreg.gather [hbm4b:s7+s3], $0x80, v4, vm0, $0xb8;
	[tilespmem:$0x10200] =	vst v63  }
0x2d3: {  	s23 =	simm.s32 $0xE200  }
0x2d4: {  	[tilespmem:s23], [sflag:$0x2] =	stream.indirect_vreg.gather [hbm4b:s1+s3], $0x80, v3, vm0, $0xb8;
	[tilespmem:$0x10200] =	vst v63  }
0x2d5: {  	s16 =	simm.s32 $0xEA00  }
0x2d6: {  	[tilespmem:s16], [sflag:$0x2] =	stream.indirect_vreg.gather [hbm4b:s5+s3], $0x80, v3, vm0, $0xb8;
	[tilespmem:$0x10200] =	vst v63  }
0x2d7: {  	s23 =	simm.s32 $0xF200  }
0x2d8: {  	[tilespmem:s23], [sflag:$0x2] =	stream.indirect_vreg.gather [hbm4b:s6+s3], $0x80, v3, vm0, $0xb8;
	[tilespmem:$0x10200] =	vst v63  }
0x2d9: {  	s30 =	simm.s32 $0xFA00  }
0x2da: {  	[tilespmem:s30], [sflag:$0x2] =	stream.indirect_vreg.gather [hbm4b:s7+s3], $0x80, v3, vm0, $0xb8;
	[tilespmem:$0x10200] =	vst v63  }
0x2db: {  	s22 =	rddreg [dreg:$0x10]  }
0x2dc: {  	[hbm4b:s22+s3] =	stream.linear.scatter [tilespmem:s10], [sflag:$0x3], $0x8000, $0x38;
	[tilespmem:$0x10200] =	vst v63  }
0x2dd: {  	_ =	swait.ge [sflag:s19], $0x8000  }
0x2de: {  	[sflag:s19] =	ssyncset.done $0x0  }
0x2df: {  	[sflag:s19] =	ssyncadd.s32 $0xFFFF8000  }
0x2e0: {  	_ =	swait.ge [sflag:s20], $0x8000  }
0x2e1: {  	[sflag:s20] =	ssyncset.done $0x0  }
0x2e2: {  	[sflag:s20] =	ssyncadd.s32 $0xFFFF8000  }
0x2e3: {  	v3 =	vld [tilespmem:$0x1C0];
	_ =	sdelay $0x4  }
0x2e4: {  	v60 =	vshll.u32 v3, $0x3  }
0x2e5: {  	v3 =	vand.u32 $0x7, v3;
	v4 =	vand.u32 $0xFFFFFFC0, v60  }
0x2e6: {  	v3 =	vor.u32 v3, v4  }
0x2e7: {  	v4 =	vperm.xlane v3, v0;
	_ =	sdelay $0x1  }
0x2e8: {  	v4 =	vadd.s32 v1, v4;
	_ =	sdelay $0x4  }
0x2e9: {  	[tilespmem:s10], [sflag:$0x1] =	stream.indirect_vreg.gather [hbm4b:s1+s3], $0x80, v4, vm0, $0xb8;
	[tilespmem:$0x10200] =	vst v63  }
0x2ea: {  	s9 =	simm.s32 $0xA00;
	v3 =	vperm.xlane v3, v2  }
0x2eb: {  	[tilespmem:s9], [sflag:$0x1] =	stream.indirect_vreg.gather [hbm4b:s5+s3], $0x80, v4, vm0, $0xb8;
	[tilespmem:$0x10200] =	vst v63  }
0x2ec: {  	s30 =	simm.s32 $0x1200;
	v3 =	vadd.s32 v1, v3  }
0x2ed: {  	[tilespmem:s30], [sflag:$0x1] =	stream.indirect_vreg.gather [hbm4b:s6+s3], $0x80, v4, vm0, $0xb8;
	[tilespmem:$0x10200] =	vst v63  }
0x2ee: {  	s8 =	simm.s32 $0x1A00  }
0x2ef: {  	[tilespmem:s8], [sflag:$0x1] =	stream.indirect_vreg.gather [hbm4b:s7+s3], $0x80, v4, vm0, $0xb8;
	[tilespmem:$0x10200] =	vst v63  }
0x2f0: {  	s0 =	simm.s32 $0x2200  }
0x2f1: {  	[tilespmem:s0], [sflag:$0x1] =	stream.indirect_vreg.gather [hbm4b:s1+s3], $0x80, v3, vm0, $0xb8;
	[tilespmem:$0x10200] =	vst v63  }
0x2f2: {  	s29 =	simm.s32 $0x2A00  }
0x2f3: {  	[tilespmem:s29], [sflag:$0x1] =	stream.indirect_vreg.gather [hbm4b:s5+s3], $0x80, v3, vm0, $0xb8;
	[tilespmem:$0x10200] =	vst v63  }
0x2f4: {  	s8 =	simm.s32 $0x3200  }
0x2f5: {  	[tilespmem:s8], [sflag:$0x1] =	stream.indirect_vreg.gather [hbm4b:s6+s3], $0x80, v3, vm0, $0xb8;
	[tilespmem:$0x10200] =	vst v63  }
0x2f6: {  	s9 =	simm.s32 $0x3A00  }
0x2f7: {  	[tilespmem:s9], [sflag:$0x1] =	stream.indirect_vreg.gather [hbm4b:s7+s3], $0x80, v3, vm0, $0xb8;
	[tilespmem:$0x10200] =	vst v63  }
0x2f8: {  	v3 =	vld [tilespmem:$0x1D0];
	_ =	sdelay $0x4  }
0x2f9: {  	v61 =	vshll.u32 v3, $0x3  }
0x2fa: {  	v3 =	vand.u32 $0x7, v3;
	v4 =	vand.u32 $0xFFFFFFC0, v61  }
0x2fb: {  	v3 =	vor.u32 v3, v4  }
0x2fc: {  	v4 =	vperm.xlane v3, v0;
	_ =	sdelay $0x1  }
0x2fd: {  	v4 =	vadd.s32 v1, v4;
	_ =	sdelay $0x3  }
0x2fe: {  	s22 =	simm.s32 $0x4200  }
0x2ff: {  	[tilespmem:s22], [sflag:$0x1] =	stream.indirect_vreg.gather [hbm4b:s1+s3], $0x80, v4, vm0, $0xb8;
	[tilespmem:$0x10200] =	vst v63  }
0x300: {  	s13 =	simm.s32 $0x4A00;
	v3 =	vperm.xlane v3, v2  }
0x301: {  	[tilespmem:s13], [sflag:$0x1] =	stream.indirect_vreg.gather [hbm4b:s5+s3], $0x80, v4, vm0, $0xb8;
	[tilespmem:$0x10200] =	vst v63  }
0x302: {  	s29 =	simm.s32 $0x5200;
	v3 =	vadd.s32 v1, v3  }
0x303: {  	[tilespmem:s29], [sflag:$0x1] =	stream.indirect_vreg.gather [hbm4b:s6+s3], $0x80, v4, vm0, $0xb8;
	[tilespmem:$0x10200] =	vst v63  }
0x304: {  	s30 =	simm.s32 $0x5A00  }
0x305: {  	[tilespmem:s30], [sflag:$0x1] =	stream.indirect_vreg.gather [hbm4b:s7+s3], $0x80, v4, vm0, $0xb8;
	[tilespmem:$0x10200] =	vst v63  }
0x306: {  	s25 =	simm.s32 $0x6200  }
0x307: {  	[tilespmem:s25], [sflag:$0x1] =	stream.indirect_vreg.gather [hbm4b:s1+s3], $0x80, v3, vm0, $0xb8;
	[tilespmem:$0x10200] =	vst v63  }
0x308: {  	s24 =	simm.s32 $0x6A00  }
0x309: {  	[tilespmem:s24], [sflag:$0x1] =	stream.indirect_vreg.gather [hbm4b:s5+s3], $0x80, v3, vm0, $0xb8;
	[tilespmem:$0x10200] =	vst v63  }
0x30a: {  	s31 =	simm.s32 $0x7200  }
0x30b: {  	[tilespmem:s31], [sflag:$0x1] =	stream.indirect_vreg.gather [hbm4b:s6+s3], $0x80, v3, vm0, $0xb8;
	[tilespmem:$0x10200] =	vst v63  }
0x30c: {  	s17 =	simm.s32 $0x7A00  }
0x30d: {  	[tilespmem:s17], [sflag:$0x1] =	stream.indirect_vreg.gather [hbm4b:s7+s3], $0x80, v3, vm0, $0xb8;
	[tilespmem:$0x10200] =	vst v63  }
0x30e: {  	s8 =	rddreg [dreg:$0x11]  }
0x30f: {  	[hbm4b:s8+s3] =	stream.linear.scatter [tilespmem:s28], [sflag:$0x4], $0x8000, $0x38;
	[tilespmem:$0x10200] =	vst v63  }
0x310: {  	_ =	swait.ge [sflag:s26], $0x8000  }
0x311: {  	[sflag:s26] =	ssyncset.done $0x0  }
0x312: {  	[sflag:s26] =	ssyncadd.s32 $0xFFFF8000  }
0x313: {  	_ =	swait.ge [sflag:s21], $0x8000  }
0x314: {  	[sflag:s21] =	ssyncset.done $0x0  }
0x315: {  	[sflag:s21] =	ssyncadd.s32 $0xFFFF8000  }
0x316: {  	v3 =	vld [tilespmem:$0x1E0];
	_ =	sdelay $0x4  }
0x317: {  	v62 =	vshll.u32 v3, $0x3  }
0x318: {  	v3 =	vand.u32 $0x7, v3;
	v4 =	vand.u32 $0xFFFFFFC0, v62  }
0x319: {  	v3 =	vor.u32 v3, v4  }
0x31a: {  	v4 =	vperm.xlane v3, v0;
	_ =	sdelay $0x1  }
0x31b: {  	v4 =	vadd.s32 v1, v4;
	_ =	sdelay $0x4  }
0x31c: {  	[tilespmem:s28], [sflag:$0x2] =	stream.indirect_vreg.gather [hbm4b:s1+s3], $0x80, v4, vm0, $0xb8;
	[tilespmem:$0x10200] =	vst v63  }
0x31d: {  	s9 =	simm.s32 $0x8A00;
	v3 =	vperm.xlane v3, v2  }
0x31e: {  	[tilespmem:s9], [sflag:$0x2] =	stream.indirect_vreg.gather [hbm4b:s5+s3], $0x80, v4, vm0, $0xb8;
	[tilespmem:$0x10200] =	vst v63  }
0x31f: {  	s13 =	simm.s32 $0x9200;
	v3 =	vadd.s32 v1, v3  }
0x320: {  	[tilespmem:s13], [sflag:$0x2] =	stream.indirect_vreg.gather [hbm4b:s6+s3], $0x80, v4, vm0, $0xb8;
	[tilespmem:$0x10200] =	vst v63  }
0x321: {  	s17 =	simm.s32 $0x9A00  }
0x322: {  	[tilespmem:s17], [sflag:$0x2] =	stream.indirect_vreg.gather [hbm4b:s7+s3], $0x80, v4, vm0, $0xb8;
	[tilespmem:$0x10200] =	vst v63  }
0x323: {  	s12 =	simm.s32 $0xA200  }
0x324: {  	[tilespmem:s12], [sflag:$0x2] =	stream.indirect_vreg.gather [hbm4b:s1+s3], $0x80, v3, vm0, $0xb8;
	[tilespmem:$0x10200] =	vst v63  }
0x325: {  	s11 =	simm.s32 $0xAA00  }
0x326: {  	[tilespmem:s11], [sflag:$0x2] =	stream.indirect_vreg.gather [hbm4b:s5+s3], $0x80, v3, vm0, $0xb8;
	[tilespmem:$0x10200] =	vst v63  }
0x327: {  	s2 =	simm.s32 $0xB200  }
0x328: {  	[tilespmem:s2], [sflag:$0x2] =	stream.indirect_vreg.gather [hbm4b:s6+s3], $0x80, v3, vm0, $0xb8;
	[tilespmem:$0x10200] =	vst v63  }
0x329: {  	s22 =	simm.s32 $0xBA00  }
0x32a: {  	[tilespmem:s22], [sflag:$0x2] =	stream.indirect_vreg.gather [hbm4b:s7+s3], $0x80, v3, vm0, $0xb8;
	[tilespmem:$0x10200] =	vst v63  }
0x32b: {  	v3 =	vld [tilespmem:$0x1F0];
	_ =	sdelay $0x4  }
0x32c: {  	v63 =	vshll.u32 v3, $0x3  }
0x32d: {  	v3 =	vand.u32 $0x7, v3;
	v4 =	vand.u32 $0xFFFFFFC0, v63  }
0x32e: {  	v3 =	vor.u32 v3, v4  }
0x32f: {  	v4 =	vperm.xlane v3, v0;
	_ =	sdelay $0x1  }
0x330: {  	v4 =	vadd.s32 v1, v4;
	_ =	sdelay $0x3  }
0x331: {  	s24 =	simm.s32 $0xC200  }
0x332: {  	[tilespmem:s24], [sflag:$0x2] =	stream.indirect_vreg.gather [hbm4b:s1+s3], $0x80, v4, vm0, $0xb8;
	[tilespmem:$0x10200] =	vst v63  }
0x333: {  	s25 =	simm.s32 $0xCA00;
	v3 =	vperm.xlane v3, v2  }
0x334: {  	[tilespmem:s25], [sflag:$0x2] =	stream.indirect_vreg.gather [hbm4b:s5+s3], $0x80, v4, vm0, $0xb8;
	[tilespmem:$0x10200] =	vst v63  }
0x335: {  	s29 =	simm.s32 $0xD200;
	v3 =	vadd.s32 v1, v3  }
0x336: {  	[tilespmem:s29], [sflag:$0x2] =	stream.indirect_vreg.gather [hbm4b:s6+s3], $0x80, v4, vm0, $0xb8;
	[tilespmem:$0x10200] =	vst v63  }
0x337: {  	s18 =	simm.s32 $0xDA00  }
0x338: {  	[tilespmem:s18], [sflag:$0x2] =	stream.indirect_vreg.gather [hbm4b:s7+s3], $0x80, v4, vm0, $0xb8;
	[tilespmem:$0x10200] =	vst v63  }
0x339: {  	s14 =	simm.s32 $0xE200  }
0x33a: {  	[tilespmem:s14], [sflag:$0x2] =	stream.indirect_vreg.gather [hbm4b:s1+s3], $0x80, v3, vm0, $0xb8;
	[tilespmem:$0x10200] =	vst v63  }
0x33b: {  	s4 =	simm.s32 $0xEA00  }
0x33c: {  	[tilespmem:s4], [sflag:$0x2] =	stream.indirect_vreg.gather [hbm4b:s5+s3], $0x80, v3, vm0, $0xb8;
	[tilespmem:$0x10200] =	vst v63  }
0x33d: {  	s23 =	simm.s32 $0xF200  }
0x33e: {  	[tilespmem:s23], [sflag:$0x2] =	stream.indirect_vreg.gather [hbm4b:s6+s3], $0x80, v3, vm0, $0xb8;
	[tilespmem:$0x10200] =	vst v63  }
0x33f: {  	s16 =	simm.s32 $0xFA00  }
0x340: {  	[tilespmem:s16], [sflag:$0x2] =	stream.indirect_vreg.gather [hbm4b:s7+s3], $0x80, v3, vm0, $0xb8;
	[tilespmem:$0x10200] =	vst v63  }
0x341: {  	s30 =	rddreg [dreg:$0x12]  }
0x342: {  	[hbm4b:s30+s3] =	stream.linear.scatter [tilespmem:s10], [sflag:$0x3], $0x8000, $0x38;
	[tilespmem:$0x10200] =	vst v63  }
0x343: {  	_ =	swait.ge [sflag:s19], $0x8000  }
0x344: {  	[sflag:s19] =	ssyncset.done $0x0  }
0x345: {  	s31 =	rddreg [dreg:$0x13];
	[sflag:s19] =	ssyncadd.s32 $0xFFFF8000  }
0x346: {  	[hbm4b:s31+s3] =	stream.linear.scatter [tilespmem:s28], [sflag:$0x4], $0x8000, $0x38;
	[tilespmem:$0x10200] =	vst v63  }
0x347: {  	p0 =	sne.s32 s15, $0x1;
	_ =	swait.ge [sflag:s21], $0x8000  }
.Ltmp0:
0x348: {  	[sflag:s21] =	ssyncset.done $0x0;
	(pc) =	sbr.rel @p0 .LBB2_1-.Ltmp0, $4  }
0x349: {  	[sflag:s21] =	ssyncadd.s32 $0xFFFF8000  }
0x34a: {  	_ =	swait.ge [sflag:s20], $0x8000  }
0x34b: {  	[sflag:s20] =	ssyncset.done $0x0  }
0x34c: {  	s15 =	sadd.s32 $0xFFFFFFFF, s15;
	[sflag:s20] =	ssyncadd.s32 $0xFFFF8000  }
0x34d: {  	_ =	sfence.sel $0x180000  }
0x34e: {  	[bflag:$0x0] =	sbarrier.arrive $0xFFFF  }
0x34f: {  	_ =	strace $0x90000047  }
0x350: {  	s0 =	stileid.u32;
	[bflag:$0x2] =	sbarrier.arrive $0xFFFF  }
0x351: {  	p0 =	sne.s32 s0, $0x0;
	s0 =	rddreg [dreg:$0x3]  }
0x352: {  	s0 =	sadd.s32 @!p0 $0x100000, s0  }
0x353: {  	[sflag:s0] =	ssyncadd.tile.s32 @!p0 $0x1;
	_ =	shalt  }
.Lfunc_end2:
_tile_overlayer_lowered:
.L_overlay_start_2:
0x354: {  	(tag) =	ssettag $0x2  }
0x355: {  	s0 =	rddreg [dreg:$0x0];
	s2 =	stileid.u32  }
0x356: {  	s1 =	rddreg [dreg:$0x1];
	p0 =	sne.s32 s2, $0x0  }
0x357: {  	s3 =	rddreg [dreg:$0x2];
	[bflag:$0x3] =	sbarrier.arrive $0xFFFF;
	s2 =	simm.s32 @!p0 $0x1C05  }
0x358: {  	[timem:s3], [sflag:s2] =	dma.local @!p0 [hbm:s0], s1  }
0x359: {  	s0 =	simm.s32 @!p0 $0x5  }
0x35a: {  	_ =	swait.ge @!p0 [sflag:s0], s1  }
0x35b: {  	s1 =	ssub.s32 @!p0 $0x0, s1;
	[sflag:s0] =	ssyncset.done @!p0 $0x0  }
0x35c: {  	[sflag:s0] =	ssyncadd.s32 @!p0 s1  }
0x35d: {  	[bflag:$0x3] =	sbarrier.arrive $0xFFFF  }
0x35e: {  	_ =	shalt  }

</sc_bundles>
